<compile_context>
chip_gen: v7x
topology: tpu7x:2x2x1
jax: 0.10.2.dev20260603
libtpu: 0.0.44.dev20260713+nightly
codegen_flags: <defaults>
</compile_context>

<pallas_src>
import functools

import jax
import jax.numpy as jnp
from jax import lax
from jax.experimental import pallas as pl
from jax.experimental.pallas import tpu as pltpu
from jax.experimental.pallas import tpu_sc as plsc

B, L, H, E = 1024, 20, 128, 8
NB = 8
TB = B // NB
NW = 32
NC = 2
SEG_PER_W = (B * L) // NW // 128
NODE_PER_W = (2 * B) // NW
SL_PER_W = B // NW
F32 = jnp.float32


DP = 32


def _sc_gather(seg_table, seg_idx, node_table, node_idx, slice_table, slice_idx):
    mesh = plsc.VectorSubcoreMesh(core_axis_name="c", subcore_axis_name="s")

    @functools.partial(
        pl.kernel, mesh=mesh,
        compiler_params=pltpu.CompilerParams(use_tc_tiling_on_sc=False),
        out_type=[
            jax.ShapeDtypeStruct((NW * SEG_PER_W, 128, DP), F32),
            jax.ShapeDtypeStruct((NW, NODE_PER_W, DP), F32),
            jax.ShapeDtypeStruct((NW, SL_PER_W, DP), F32),
        ],
        scratch_types=[
            pltpu.VMEM((SEG_PER_W, 128), jnp.int32),
            pltpu.VMEM((SEG_PER_W, 128, DP), F32),
            pltpu.VMEM((1, NODE_PER_W), jnp.int32),
            pltpu.VMEM((NODE_PER_W, DP), F32),
            pltpu.VMEM((1, SL_PER_W), jnp.int32),
            pltpu.VMEM((SL_PER_W, DP), F32),
            pltpu.SemaphoreType.DMA,
        ],
    )
    def body(seg_t, seg_i, node_t, node_i, sl_t, sl_i,
             seg_o, node_o, sl_o,
             idxs_v, rows_s, idxn_v, rows_n, idxl_v, rows_l, sem):
        c = lax.axis_index("c")
        s = lax.axis_index("s")
        wid = s * NC + c
        pltpu.sync_copy(seg_i.at[wid], idxs_v)
        for j in range(SEG_PER_W):
            pltpu.async_copy(seg_t.at[idxs_v.at[j]], rows_s.at[j], sem).wait()
        pltpu.sync_copy(rows_s, seg_o.at[pl.ds(wid * SEG_PER_W, SEG_PER_W)])
        pltpu.sync_copy(node_i.at[wid], idxn_v)
        pltpu.async_copy(node_t.at[idxn_v.at[0]], rows_n, sem).wait()
        pltpu.sync_copy(rows_n, node_o.at[wid])
        pltpu.sync_copy(sl_i.at[wid], idxl_v)
        pltpu.async_copy(sl_t.at[idxl_v.at[0]], rows_l, sem).wait()
        pltpu.sync_copy(rows_l, sl_o.at[wid])

    return body(seg_table, seg_idx, node_table, node_idx, slice_table, slice_idx)


def _lstm_body(all_ref, aW, ab, W0, U0, b0, W1, U1, b1, h2_ref):
    aWv, abv = aW[:], ab[:]
    W0v, U0v, b0v = W0[:], U0[:], b0[:]
    W1v, U1v, b1v = W1[:], U1[:], b1[:]

    def gates(gsum, cprev):
        i = jax.nn.sigmoid(gsum[:, 0:H])
        f = jax.nn.sigmoid(gsum[:, H:2 * H])
        g = jnp.tanh(gsum[:, 2 * H:3 * H])
        o = jax.nn.sigmoid(gsum[:, 3 * H:4 * H])
        c_new = f * cprev + i * g
        return o * jnp.tanh(c_new), c_new

    def step(t, carry):
        h0, c0, h1, c1 = carry
        x = jnp.maximum(
            jnp.dot(all_ref[t], aWv, preferred_element_type=F32) + abv, 0.0)
        g0 = (jnp.dot(x, W0v, preferred_element_type=F32)
              + jnp.dot(h0, U0v, preferred_element_type=F32) + b0v)
        h0n, c0n = gates(g0, c0)
        g1 = (jnp.dot(h0n, W1v, preferred_element_type=F32)
              + jnp.dot(h1, U1v, preferred_element_type=F32) + b1v)
        h1n, c1n = gates(g1, c1)
        h2_ref[t] = h1n
        return (h0n, c0n, h1n, c1n)

    z = jnp.zeros((B, H), F32)
    lax.fori_loop(0, L, step, (z, z, z, z))


def _lstm_call(all_in_tm, aW, ab, W0, U0, b0, W1, U1, b1):
    return pl.pallas_call(
        _lstm_body,
        out_shape=jax.ShapeDtypeStruct((L, B, H), F32),
    )(all_in_tm, aW, ab, W0, U0, b0, W1, U1, b1)


def _moe_body(h2_ref, noise_ref, len_ref, Wr, br, Wn, bn, We1, be1, We2, be2,
              seq_ref):
    h2f = h2_ref[:].reshape(L * TB, H)
    logits = jnp.dot(h2f, Wr[:], preferred_element_type=F32) + br[:]
    nl = jnp.dot(h2f, Wn[:], preferred_element_type=F32) + bn[:]
    noise = noise_ref[:].reshape(L * TB, E)
    noisy = logits + noise * jax.nn.softplus(nl)

    iota = lax.broadcasted_iota(jnp.int32, (L * TB, E), 1)
    m1 = jnp.max(noisy, -1, keepdims=True)
    i1 = jnp.min(jnp.where(noisy == m1, iota, E), -1, keepdims=True)
    noisy_m = jnp.where(iota == i1, -jnp.inf, noisy)
    m2 = jnp.max(noisy_m, -1, keepdims=True)
    i2 = jnp.min(jnp.where(noisy_m == m2, iota, E), -1, keepdims=True)
    ga = jax.nn.sigmoid(m1 - m2)
    gating = (jnp.where(iota == i1, ga, 0.0)
              + jnp.where(iota == i2, 1.0 - ga, 0.0))

    be1v, be2v = be1[:], be2[:]
    acc = jnp.zeros((L * TB, H), F32)
    for e in range(E):
        hm = jnp.maximum(
            jnp.dot(h2f, We1[e], preferred_element_type=F32)
            + be1v[e:e + 1, :], 0.0)
        oe = (jnp.dot(hm, We2[e], preferred_element_type=F32)
              + be2v[e:e + 1, :])
        acc = acc + gating[:, e:e + 1] * oe

    tidx = lax.broadcasted_iota(jnp.int32, (L, TB), 0)
    mask2 = (tidx < len_ref[:]).astype(F32)
    seq_ref[:] = jnp.sum(acc.reshape(L, TB, H) * mask2[:, :, None], axis=0)


def _moe_call(h2_tm, noise_tm, len_tm, Wr, br, Wn, bn, We1, be1, We2, be2):
    full = lambda shape: pl.BlockSpec(shape, lambda i: tuple(0 for _ in shape))
    return pl.pallas_call(
        _moe_body,
        grid=(NB,),
        in_specs=[
            pl.BlockSpec((L, TB, H), lambda i: (0, i, 0)),
            pl.BlockSpec((L, TB, E), lambda i: (0, i, 0)),
            pl.BlockSpec((L, TB), lambda i: (0, i)),
            full((H, E)), full((1, E)), full((H, E)), full((1, E)),
            full((E, H, 4 * H)), full((E, 4 * H)),
            full((E, 4 * H, H)), full((E, H)),
        ],
        out_specs=pl.BlockSpec((TB, H), lambda i: (i, 0)),
        out_shape=jax.ShapeDtypeStruct((B, H), F32),
    )(h2_tm, noise_tm, len_tm, Wr, br, Wn, bn, We1, be1, We2, be2)


def _tc2_body(deep_in, dW, db, dg, dbeta, seq,
              Wd, Wr_, W1, b1_, g_, beta_, W2, b2_,
              y_ref, lo_ref, hi_ref):
    def bnorm(x, g, b):
        mu = jnp.mean(x, 0, keepdims=True)
        var = jnp.mean((x - mu) ** 2, 0, keepdims=True)
        return (x - mu) / jnp.sqrt(var + 1e-5) * g + b

    x = jnp.dot(deep_in[:], dW[:], preferred_element_type=F32) + db[:]
    deep = jnp.maximum(bnorm(x, dg[:], dbeta[:]), 0.0)
    seqv = seq[:]
    b1v, gv, betav, b2v = b1_[:], g_[:], beta_[:], b2_[:]
    outs = []
    for i in range(3):
        fuse = (jnp.dot(deep, Wd[i], preferred_element_type=F32)
                + jnp.dot(seqv, Wr_[i], preferred_element_type=F32))
        hh = (jnp.dot(fuse, W1[i], preferred_element_type=F32)
              + b1v[i:i + 1, :])
        hh = jnp.maximum(bnorm(hh, gv[i:i + 1, :], betav[i:i + 1, :]), 0.0)
        outs.append(jnp.dot(hh, W2[i], preferred_element_type=F32)
                    + b2v[i:i + 1, :])
    y_ref[:], lo_ref[:], hi_ref[:] = outs[0], outs[1], outs[2]


def _tc2_call(deep_in, dW, db, dg, dbeta, seq,
              Wd, Wr_, W1, b1_, g_, beta_, W2, b2_):
    return pl.pallas_call(
        _tc2_body,
        out_shape=[
            jax.ShapeDtypeStruct((B, 1), F32),
            jax.ShapeDtypeStruct((B, 1), F32),
            jax.ShapeDtypeStruct((B, 1), F32),
        ],
    )(deep_in, dW, db, dg, dbeta, seq,
      Wd, Wr_, W1, b1_, g_, beta_, W2, b2_)


def kernel(xs, segment_travel_time, number_of_roadsegments, start_ts_10min,
           od, params):
    p = params
    lengths = number_of_roadsegments.reshape(-1)

    seg_idx = xs.T.reshape(NW, SEG_PER_W, 128)
    node_idx = jnp.concatenate([od[:, 0], od[:, 1]]).reshape(NW, 1, NODE_PER_W)
    slice_idx = start_ts_10min.reshape(NW, 1, SL_PER_W)
    padt = (lambda t: t) if DP == 20 else (
        lambda t: jnp.pad(t, ((0, 0), (0, DP - 20))))
    seg_rows, node_rows, slice_rows = _sc_gather(
        padt(p['segment_table']), seg_idx, padt(p['node_table']), node_idx,
        padt(p['slice_table']), slice_idx)

    all_in_tm = jnp.concatenate([
        seg_rows.reshape(L, B, DP)[:, :, :20],
        jnp.broadcast_to(slice_rows.reshape(1, B, DP)[:, :, :20],
                         (L, B, 20))], axis=-1)
    noise_tm = (jax.random.normal(jax.random.key(42), (B, L, E), F32)
                .transpose(1, 0, 2))
    len_tm = jnp.broadcast_to(lengths[None, :], (L, B))

    h2_pl = _lstm_call(
        all_in_tm,
        p['all_W'], p['all_b'].reshape(1, H),
        p['Wih0'].T, p['Whh0'].T, (p['bih0'] + p['bhh0']).reshape(1, 4 * H),
        p['Wih1'].T, p['Whh1'].T, (p['bih1'] + p['bhh1']).reshape(1, 4 * H))
    seq_out = _moe_call(
        h2_pl, noise_tm, len_tm,
        p['Wr'], p['br'].reshape(1, E), p['Wn'], p['bn'].reshape(1, E),
        p['We1'], p['be1'], p['We2'], p['be2'])

    node_flat = node_rows.reshape(2 * B, DP)[:, :20]
    deep_in = jnp.concatenate([
        start_ts_10min.astype(F32), node_flat[:B], node_flat[B:]], axis=-1)

    y, lo, hi = _tc2_call(
        deep_in, p['deep_W1'], p['deep_b1'].reshape(1, H),
        p['deep_g'].reshape(1, H), p['deep_beta'].reshape(1, H),
        seq_out,
        p['reg_Wd'], p['reg_Wr'], p['reg_W1'], p['reg_b1'],
        p['reg_g'], p['reg_beta'], p['reg_W2'], p['reg_b2'])

    all_in_lb = all_in_tm
    WihT0, WhhT0 = p['Wih0'].T, p['Whh0'].T
    WihT1, WhhT1 = p['Wih1'].T, p['Whh1'].T
    b0 = (p['bih0'] + p['bhh0'])[None]
    b1 = (p['bih1'] + p['bhh1'])[None]

    def _step(carry, t):
        h0, c0, h1, c1 = carry
        x = jax.nn.relu(all_in_lb[t] @ p['all_W'] + p['all_b'])
        g = x @ WihT0 + h0 @ WhhT0 + b0
        i, f, gg, o = jnp.split(g, 4, -1)
        c0n = jax.nn.sigmoid(f) * c0 + jax.nn.sigmoid(i) * jnp.tanh(gg)
        h0n = jax.nn.sigmoid(o) * jnp.tanh(c0n)
        g = h0n @ WihT1 + h1 @ WhhT1 + b1
        i, f, gg, o = jnp.split(g, 4, -1)
        c1n = jax.nn.sigmoid(f) * c1 + jax.nn.sigmoid(i) * jnp.tanh(gg)
        h1n = jax.nn.sigmoid(o) * jnp.tanh(c1n)
        return (h0n, c0n, h1n, c1n), h1n

    z = jnp.zeros((B, H), F32)
    _, h2_tm = lax.scan(_step, (z, z, z, z), jnp.arange(L))
    h2f = h2_tm.reshape(L * B, H)
    logits = h2f @ p['Wr'] + p['br']
    sm = logits - jnp.max(logits, -1, keepdims=True)
    es = jnp.exp(sm)
    soft = es / jnp.sum(es, -1, keepdims=True)
    tidx = lax.broadcasted_iota(jnp.int32, (L, B), 0)
    mask2 = (tidx < len_tm).astype(F32)
    load = jnp.sum(soft.reshape(L, B, E) * mask2[:, :, None], axis=(0, 1))
    total = load.sum()
    normd = load / (total + 1e-9)
    lb = jnp.sum(normd * jnp.log(normd * E + 1e-9))
    return y, lo, hi, lb

# --- scband reference (transcript-rebuilt; emitter-appended) ---
"""Pipeline reference for scband-mo-euq-network-36498632081500 (READ-ONLY COPY).

The authoritative reference and input builder live on the scoring server;
editing this copy changes nothing except your own understanding.
"""

import jax, jax.numpy as jnp
import numpy as np

B = 1024
L = 20
H = 128
E = 8
TOPK = 2
ID_DIM = 20
SLICE_EMB = 20
SEG_VOCAB = 200010
NODE_VOCAB = 4601
SLICE_VOCAB = 145


def _init_params(key):
    ks = jax.random.split(key, 20)
    def w(k, shape):
        return (jax.random.normal(k, shape) * 0.02).astype(jnp.float32)
    p = {}
    p['segment_table'] = w(ks[0], (SEG_VOCAB, ID_DIM))
    p['node_table'] = w(ks[1], (NODE_VOCAB, ID_DIM))
    p['slice_table'] = w(ks[2], (SLICE_VOCAB, SLICE_EMB))
    p['deep_W1'] = w(ks[3], (1 + 2 * ID_DIM, H)); p['deep_b1'] = jnp.zeros((H,), jnp.float32)
    p['deep_g'] = jnp.ones((H,), jnp.float32); p['deep_beta'] = jnp.zeros((H,), jnp.float32)
    p['all_W'] = w(ks[4], (ID_DIM + SLICE_EMB, H)); p['all_b'] = jnp.zeros((H,), jnp.float32)
    p['Wih0'] = w(ks[5], (4 * H, H)); p['Whh0'] = w(ks[6], (4 * H, H))
    p['bih0'] = jnp.zeros((4 * H,), jnp.float32); p['bhh0'] = jnp.zeros((4 * H,), jnp.float32)
    p['Wih1'] = w(ks[7], (4 * H, H)); p['Whh1'] = w(ks[8], (4 * H, H))
    p['bih1'] = jnp.zeros((4 * H,), jnp.float32); p['bhh1'] = jnp.zeros((4 * H,), jnp.float32)
    p['Wr'] = w(ks[9], (H, E)); p['br'] = jnp.zeros((E,), jnp.float32)
    p['Wn'] = w(ks[10], (H, E)); p['bn'] = jnp.zeros((E,), jnp.float32)
    p['We1'] = w(ks[11], (E, H, 4 * H)); p['be1'] = jnp.zeros((E, 4 * H), jnp.float32)
    p['We2'] = w(ks[12], (E, 4 * H, H)); p['be2'] = jnp.zeros((E, H), jnp.float32)
    p['reg_Wd'] = w(ks[13], (3, H, H)); p['reg_Wr'] = w(ks[14], (3, H, H))
    p['reg_W1'] = w(ks[15], (3, H, H)); p['reg_b1'] = jnp.zeros((3, H), jnp.float32)
    p['reg_g'] = jnp.ones((3, H), jnp.float32); p['reg_beta'] = jnp.zeros((3, H), jnp.float32)
    p['reg_W2'] = w(ks[16], (3, H, 1)); p['reg_b2'] = jnp.zeros((3, 1), jnp.float32)
    return p


def setup_inputs(seed: int = 0):
    key = jax.random.key(seed)
    k = jax.random.split(key, 6)
    xs = jax.random.randint(k[0], (B, L), 0, SEG_VOCAB)
    segment_travel_time = jax.random.normal(k[1], (B, L), jnp.float32)
    number_of_roadsegments = jax.random.randint(k[2], (B, 1), 1, L + 1)
    start_ts_10min = jax.random.randint(k[3], (B, 1), 0, SLICE_VOCAB)
    od = jax.random.randint(k[4], (B, 2), 0, NODE_VOCAB)
    params = _init_params(k[5])
    return {'xs': xs, 'segment_travel_time': segment_travel_time, 'number_of_roadsegments': number_of_roadsegments, 'start_ts_10min': start_ts_10min, 'od': od, 'params': params}


def _bn(x, g, b, eps=1e-5):
    mu = x.mean(0, keepdims=True)
    var = ((x - mu) ** 2).mean(0, keepdims=True)
    return (x - mu) / jnp.sqrt(var + eps) * g + b


def _lstm_layer(x, lengths, Wih, Whh, bih, bhh):
    Bb, Ll, D = x.shape
    Hh = Whh.shape[1]
    def step(carry, inp):
        h, c = carry
        x_t, t = inp
        gates = x_t @ Wih.T + bih + h @ Whh.T + bhh
        i, f, g, o = jnp.split(gates, 4, axis=-1)
        i = jax.nn.sigmoid(i); f = jax.nn.sigmoid(f)
        g = jnp.tanh(g); o = jax.nn.sigmoid(o)
        c_new = f * c + i * g
        h_new = o * jnp.tanh(c_new)
        valid = (t < lengths)[:, None]
        h2 = jnp.where(valid, h_new, h)
        c2 = jnp.where(valid, c_new, c)
        y = jnp.where(valid, h_new, 0.0)
        return (h2, c2), y
    init = (jnp.zeros((Bb, Hh), x.dtype), jnp.zeros((Bb, Hh), x.dtype))
    (_, _), ys = jax.lax.scan(step, init, (jnp.swapaxes(x, 0, 1), jnp.arange(Ll)))
    return jnp.swapaxes(ys, 0, 1)


def _forward(params, xs, number_of_roadsegments, start_ts_10min, od):
    p = params
    lengths = number_of_roadsegments.reshape(-1)
    o_embed = p['node_table'][od[:, 0]]
    d_embed = p['node_table'][od[:, 1]]
    deep_in = jnp.concatenate([start_ts_10min.astype(jnp.float32), o_embed, d_embed], axis=-1)
    deep = jax.nn.relu(_bn(deep_in @ p['deep_W1'] + p['deep_b1'], p['deep_g'], p['deep_beta']))
    all_id = p['segment_table'][xs]
    slice_idx = jnp.broadcast_to(start_ts_10min, (xs.shape[0], xs.shape[1]))
    all_slice = p['slice_table'][slice_idx]
    all_input = jnp.concatenate([all_id, all_slice], axis=2)
    rec = jax.nn.relu(all_input @ p['all_W'] + p['all_b'])
    h1 = _lstm_layer(rec, lengths, p['Wih0'], p['Whh0'], p['bih0'], p['bhh0'])
    h2 = _lstm_layer(h1, lengths, p['Wih1'], p['Whh1'], p['bih1'], p['bhh1'])
    logits = h2 @ p['Wr'] + p['br']
    noise_logits = h2 @ p['Wn'] + p['bn']
    noise = jax.random.normal(jax.random.key(42), logits.shape, jnp.float32) * jax.nn.softplus(noise_logits)
    noisy = logits + noise
    _, topi = jax.lax.top_k(noisy, TOPK)
    sel = jax.nn.one_hot(topi, E).sum(axis=-2) > 0
    sparse = jnp.where(sel, noisy, -jnp.inf)
    gating = jax.nn.softmax(sparse, axis=-1)
    soft_gate = jax.nn.softmax(logits, axis=-1)
    hmid = jax.nn.relu(jnp.einsum('bld,edf->blef', h2, p['We1']) + p['be1'])
    eout = jnp.einsum('blef,efd->bled', hmid, p['We2']) + p['be2']
    moe_out = jnp.einsum('bled,ble->bld', eout, gating)
    mask = (jnp.arange(xs.shape[1])[None, :] < lengths[:, None]).astype(jnp.float32)[:, :, None]
    seq_out = jnp.sum(moe_out * mask, axis=1)
    heads = []
    for i in range(3):
        fuse = deep @ p['reg_Wd'][i] + seq_out @ p['reg_Wr'][i]
        hh = jax.nn.relu(_bn(fuse @ p['reg_W1'][i] + p['reg_b1'][i], p['reg_g'][i], p['reg_beta'][i]))
        heads.append(hh @ p['reg_W2'][i] + p['reg_b2'][i])
    hat_y, bias_lower, bias_upper = heads
    valid_g = soft_gate * mask
    expert_load = valid_g.sum(axis=(0, 1))
    total_load = expert_load.sum()
    normalized = expert_load / (total_load + 1e-09)
    lb_loss = jnp.sum(normalized * jnp.log(normalized * E + 1e-09))
    return (hat_y, bias_lower, bias_upper, lb_loss)


def reference(xs, segment_travel_time, number_of_roadsegments, start_ts_10min, od, params):
    return _forward(params, xs, number_of_roadsegments, start_ts_10min, od)

if __name__ == "__main__":
    import jax
    _d = setup_inputs()
    print(jax.jit(kernel)(*tuple(_d.values())))

</pallas_src>

<mosaic_0001>
#map = affine_map<(d0, d1) -> (0, 0)>
#map1 = affine_map<(d0, d1) -> (0, 0, 0)>
module attributes {stable_mosaic.version = 14 : i64} {
  func.func @body(%arg0: i32, %arg1: i32, %arg2: memref<200010x32xf32, #tpu.memory_space<hbm>>, %arg3: memref<32x5x128xi32, #tpu.memory_space<hbm>>, %arg4: memref<4601x32xf32, #tpu.memory_space<hbm>>, %arg5: memref<32x1x64xi32, #tpu.memory_space<hbm>>, %arg6: memref<145x32xf32, #tpu.memory_space<hbm>>, %arg7: memref<32x1x32xi32, #tpu.memory_space<hbm>>, %arg8: memref<160x128x32xf32, #tpu.memory_space<hbm>>, %arg9: memref<32x64x32xf32, #tpu.memory_space<hbm>>, %arg10: memref<32x32x32xf32, #tpu.memory_space<hbm>>, %arg11: memref<5x128xi32, #tpu.memory_space<vmem>>, %arg12: memref<5x128x32xf32, #tpu.memory_space<vmem>>, %arg13: memref<1x64xi32, #tpu.memory_space<vmem>>, %arg14: memref<64x32xf32, #tpu.memory_space<vmem>>, %arg15: memref<1x32xi32, #tpu.memory_space<vmem>>, %arg16: memref<32x32xf32, #tpu.memory_space<vmem>>, %arg17: memref<!tpu.dma_semaphore, #tpu.memory_space<semaphore_mem>>) attributes {dimension_semantics = [#tpu.dimension_semantics<core_parallel>, #tpu.dimension_semantics<subcore_parallel>], iteration_bounds = array<i64: 2, 16>, scalar_prefetch = 0 : i64, scratch_operands = 7 : i64, tpu.core_type = #tpu.core_type<sc_vector_subcore>, window_params = [{transform_indices = #map}, {transform_indices = #map1}, {transform_indices = #map}, {transform_indices = #map1}, {transform_indices = #map}, {transform_indices = #map1}, {transform_indices = #map1}, {transform_indices = #map1}, {transform_indices = #map1}]} {
    %mul3A = arith.constant 2 : i32
    %mul3A_0 = arith.muli %arg1, %mul3A : i32
    %add3A = arith.addi %mul3A_0, %arg0 : i32
    "tpu.region"() ({
      %run_scoped3A = tpu.sem_alloc : memref<!tpu.dma_semaphore, #tpu.memory_space<semaphore_mem>>
      %dma_start3A_149 = arith.constant 0 : i32
      %dma_start3A_150 = arith.constant 0 : i32
      %dma_start3A_151 = tpu.memref_slice %arg3[%add3A, %dma_start3A_149, %dma_start3A_150] : memref<32x5x128xi32, #tpu.memory_space<hbm>> -> memref<1x5x128xi32, #tpu.memory_space<hbm>>
      %dma_start3A_152 = tpu.memref_squeeze %dma_start3A_151 : memref<1x5x128xi32, #tpu.memory_space<hbm>> -> memref<5x128xi32, #tpu.memory_space<hbm>>
      %dma_start3A_153 = arith.constant 0 : i32
      %dma_start3A_154 = arith.constant 0 : i32
      %dma_start3A_155 = tpu.memref_slice %arg3[%add3A, %dma_start3A_153, %dma_start3A_154] : memref<32x5x128xi32, #tpu.memory_space<hbm>> -> memref<1x5x128xi32, #tpu.memory_space<hbm>>
      %dma_start3A_156 = tpu.memref_squeeze %dma_start3A_155 : memref<1x5x128xi32, #tpu.memory_space<hbm>> -> memref<5x128xi32, #tpu.memory_space<hbm>>
      tpu.enqueue_dma source(%dma_start3A_156 : memref<5x128xi32, #tpu.memory_space<hbm>>) target(%arg11 : memref<5x128xi32, #tpu.memory_space<vmem>>) target_semaphore(%run_scoped3A : memref<!tpu.dma_semaphore, #tpu.memory_space<semaphore_mem>>)
      %dma_wait3A_157 = arith.constant 0 : i32
      %dma_wait3A_158 = arith.constant 0 : i32
      %dma_wait3A_159 = tpu.memref_slice %arg3[%add3A, %dma_wait3A_157, %dma_wait3A_158] : memref<32x5x128xi32, #tpu.memory_space<hbm>> -> memref<1x5x128xi32, #tpu.memory_space<hbm>>
      %dma_wait3A_160 = tpu.memref_squeeze %dma_wait3A_159 : memref<1x5x128xi32, #tpu.memory_space<hbm>> -> memref<5x128xi32, #tpu.memory_space<hbm>>
      %dma_wait3A_161 = arith.constant 0 : i32
      %dma_wait3A_162 = arith.constant 0 : i32
      %dma_wait3A_163 = tpu.memref_slice %arg3[%add3A, %dma_wait3A_161, %dma_wait3A_162] : memref<32x5x128xi32, #tpu.memory_space<hbm>> -> memref<1x5x128xi32, #tpu.memory_space<hbm>>
      %dma_wait3A_164 = tpu.memref_squeeze %dma_wait3A_163 : memref<1x5x128xi32, #tpu.memory_space<hbm>> -> memref<5x128xi32, #tpu.memory_space<hbm>>
      tpu.wait_dma2 semaphore(%run_scoped3A : memref<!tpu.dma_semaphore, #tpu.memory_space<semaphore_mem>>) src(%dma_wait3A_164 : memref<5x128xi32, #tpu.memory_space<hbm>>) dst(%arg11 : memref<5x128xi32, #tpu.memory_space<vmem>>)
      tpu.yield
    }) : () -> ()
    %dma_start3A = arith.constant 0 : i32
    %dma_start3A_1 = arith.constant 0 : i32
    %dma_start3A_2 = arith.constant 0 : i32
    %dma_start3A_3 = arith.constant 0 : i32
    %dma_start3A_4 = tpu.memref_slice %arg12[%dma_start3A_1, %dma_start3A_2, %dma_start3A_3] : memref<5x128x32xf32, #tpu.memory_space<vmem>> -> memref<1x128x32xf32, #tpu.memory_space<vmem>>
    %dma_start3A_5 = tpu.memref_squeeze %dma_start3A_4 : memref<1x128x32xf32, #tpu.memory_space<vmem>> -> memref<128x32xf32, #tpu.memory_space<vmem>>
    %dma_start3A_6 = arith.constant 0 : i32
    %dma_start3A_7 = tpu.memref_slice %arg11[%dma_start3A, %dma_start3A_6] : memref<5x128xi32, #tpu.memory_space<vmem>> -> memref<1x128xi32, #tpu.memory_space<vmem>>
    %dma_start3A_8 = tpu.memref_squeeze %dma_start3A_7 : memref<1x128xi32, #tpu.memory_space<vmem>> -> memref<128xi32, #tpu.memory_space<vmem>>
    %dma_start3A_9 = arith.constant 0 : i32
    %dma_start3A_10 = arith.constant 0 : i32
    %dma_start3A_11 = tpu.memref_slice %arg2[%dma_start3A_9, %dma_start3A_10] : memref<200010x32xf32, #tpu.memory_space<hbm>> -> memref<200010x32xf32, #tpu.memory_space<hbm>>
    tpu.enqueue_indirect_dma source(%dma_start3A_11 : memref<200010x32xf32, #tpu.memory_space<hbm>>) target(%dma_start3A_5 : memref<128x32xf32, #tpu.memory_space<vmem>>) offsets(%dma_start3A_8 : memref<128xi32, #tpu.memory_space<vmem>>) semaphore(%arg17 : memref<!tpu.dma_semaphore, #tpu.memory_space<semaphore_mem>>)
    %dma_wait3A = arith.constant 0 : i32
    %dma_wait3A_12 = arith.constant 0 : i32
    %dma_wait3A_13 = arith.constant 0 : i32
    %dma_wait3A_14 = arith.constant 0 : i32
    %dma_wait3A_15 = tpu.memref_slice %arg12[%dma_wait3A_12, %dma_wait3A_13, %dma_wait3A_14] : memref<5x128x32xf32, #tpu.memory_space<vmem>> -> memref<1x128x32xf32, #tpu.memory_space<vmem>>
    %dma_wait3A_16 = tpu.memref_squeeze %dma_wait3A_15 : memref<1x128x32xf32, #tpu.memory_space<vmem>> -> memref<128x32xf32, #tpu.memory_space<vmem>>
    %dma_wait3A_17 = arith.constant 0 : i32
    %dma_wait3A_18 = tpu.memref_slice %arg11[%dma_wait3A, %dma_wait3A_17] : memref<5x128xi32, #tpu.memory_space<vmem>> -> memref<1x128xi32, #tpu.memory_space<vmem>>
    %dma_wait3A_19 = tpu.memref_squeeze %dma_wait3A_18 : memref<1x128xi32, #tpu.memory_space<vmem>> -> memref<128xi32, #tpu.memory_space<vmem>>
    %dma_wait3A_20 = arith.constant 0 : i32
    %dma_wait3A_21 = arith.constant 0 : i32
    %dma_wait3A_22 = tpu.memref_slice %arg2[%dma_wait3A_20, %dma_wait3A_21] : memref<200010x32xf32, #tpu.memory_space<hbm>> -> memref<200010x32xf32, #tpu.memory_space<hbm>>
    tpu.wait_indirect_dma semaphore(%arg17 : memref<!tpu.dma_semaphore, #tpu.memory_space<semaphore_mem>>) src(%dma_wait3A_22 : memref<200010x32xf32, #tpu.memory_space<hbm>>) dst(%dma_wait3A_16 : memref<128x32xf32, #tpu.memory_space<vmem>>)
    %dma_start3A_23 = arith.constant 1 : i32
    %dma_start3A_24 = arith.constant 1 : i32
    %dma_start3A_25 = arith.constant 0 : i32
    %dma_start3A_26 = arith.constant 0 : i32
    %dma_start3A_27 = tpu.memref_slice %arg12[%dma_start3A_24, %dma_start3A_25, %dma_start3A_26] : memref<5x128x32xf32, #tpu.memory_space<vmem>> -> memref<1x128x32xf32, #tpu.memory_space<vmem>>
    %dma_start3A_28 = tpu.memref_squeeze %dma_start3A_27 : memref<1x128x32xf32, #tpu.memory_space<vmem>> -> memref<128x32xf32, #tpu.memory_space<vmem>>
    %dma_start3A_29 = arith.constant 0 : i32
    %dma_start3A_30 = tpu.memref_slice %arg11[%dma_start3A_23, %dma_start3A_29] : memref<5x128xi32, #tpu.memory_space<vmem>> -> memref<1x128xi32, #tpu.memory_space<vmem>>
    %dma_start3A_31 = tpu.memref_squeeze %dma_start3A_30 : memref<1x128xi32, #tpu.memory_space<vmem>> -> memref<128xi32, #tpu.memory_space<vmem>>
    %dma_start3A_32 = arith.constant 0 : i32
    %dma_start3A_33 = arith.constant 0 : i32
    %dma_start3A_34 = tpu.memref_slice %arg2[%dma_start3A_32, %dma_start3A_33] : memref<200010x32xf32, #tpu.memory_space<hbm>> -> memref<200010x32xf32, #tpu.memory_space<hbm>>
    tpu.enqueue_indirect_dma source(%dma_start3A_34 : memref<200010x32xf32, #tpu.memory_space<hbm>>) target(%dma_start3A_28 : memref<128x32xf32, #tpu.memory_space<vmem>>) offsets(%dma_start3A_31 : memref<128xi32, #tpu.memory_space<vmem>>) semaphore(%arg17 : memref<!tpu.dma_semaphore, #tpu.memory_space<semaphore_mem>>)
    %dma_wait3A_35 = arith.constant 1 : i32
    %dma_wait3A_36 = arith.constant 1 : i32
    %dma_wait3A_37 = arith.constant 0 : i32
    %dma_wait3A_38 = arith.constant 0 : i32
    %dma_wait3A_39 = tpu.memref_slice %arg12[%dma_wait3A_36, %dma_wait3A_37, %dma_wait3A_38] : memref<5x128x32xf32, #tpu.memory_space<vmem>> -> memref<1x128x32xf32, #tpu.memory_space<vmem>>
    %dma_wait3A_40 = tpu.memref_squeeze %dma_wait3A_39 : memref<1x128x32xf32, #tpu.memory_space<vmem>> -> memref<128x32xf32, #tpu.memory_space<vmem>>
    %dma_wait3A_41 = arith.constant 0 : i32
    %dma_wait3A_42 = tpu.memref_slice %arg11[%dma_wait3A_35, %dma_wait3A_41] : memref<5x128xi32, #tpu.memory_space<vmem>> -> memref<1x128xi32, #tpu.memory_space<vmem>>
    %dma_wait3A_43 = tpu.memref_squeeze %dma_wait3A_42 : memref<1x128xi32, #tpu.memory_space<vmem>> -> memref<128xi32, #tpu.memory_space<vmem>>
    %dma_wait3A_44 = arith.constant 0 : i32
    %dma_wait3A_45 = arith.constant 0 : i32
    %dma_wait3A_46 = tpu.memref_slice %arg2[%dma_wait3A_44, %dma_wait3A_45] : memref<200010x32xf32, #tpu.memory_space<hbm>> -> memref<200010x32xf32, #tpu.memory_space<hbm>>
    tpu.wait_indirect_dma semaphore(%arg17 : memref<!tpu.dma_semaphore, #tpu.memory_space<semaphore_mem>>) src(%dma_wait3A_46 : memref<200010x32xf32, #tpu.memory_space<hbm>>) dst(%dma_wait3A_40 : memref<128x32xf32, #tpu.memory_space<vmem>>)
    %dma_start3A_47 = arith.constant 2 : i32
    %dma_start3A_48 = arith.constant 2 : i32
    %dma_start3A_49 = arith.constant 0 : i32
    %dma_start3A_50 = arith.constant 0 : i32
    %dma_start3A_51 = tpu.memref_slice %arg12[%dma_start3A_48, %dma_start3A_49, %dma_start3A_50] : memref<5x128x32xf32, #tpu.memory_space<vmem>> -> memref<1x128x32xf32, #tpu.memory_space<vmem>>
    %dma_start3A_52 = tpu.memref_squeeze %dma_start3A_51 : memref<1x128x32xf32, #tpu.memory_space<vmem>> -> memref<128x32xf32, #tpu.memory_space<vmem>>
    %dma_start3A_53 = arith.constant 0 : i32
    %dma_start3A_54 = tpu.memref_slice %arg11[%dma_start3A_47, %dma_start3A_53] : memref<5x128xi32, #tpu.memory_space<vmem>> -> memref<1x128xi32, #tpu.memory_space<vmem>>
    %dma_start3A_55 = tpu.memref_squeeze %dma_start3A_54 : memref<1x128xi32, #tpu.memory_space<vmem>> -> memref<128xi32, #tpu.memory_space<vmem>>
    %dma_start3A_56 = arith.constant 0 : i32
    %dma_start3A_57 = arith.constant 0 : i32
    %dma_start3A_58 = tpu.memref_slice %arg2[%dma_start3A_56, %dma_start3A_57] : memref<200010x32xf32, #tpu.memory_space<hbm>> -> memref<200010x32xf32, #tpu.memory_space<hbm>>
    tpu.enqueue_indirect_dma source(%dma_start3A_58 : memref<200010x32xf32, #tpu.memory_space<hbm>>) target(%dma_start3A_52 : memref<128x32xf32, #tpu.memory_space<vmem>>) offsets(%dma_start3A_55 : memref<128xi32, #tpu.memory_space<vmem>>) semaphore(%arg17 : memref<!tpu.dma_semaphore, #tpu.memory_space<semaphore_mem>>)
    %dma_wait3A_59 = arith.constant 2 : i32
    %dma_wait3A_60 = arith.constant 2 : i32
    %dma_wait3A_61 = arith.constant 0 : i32
    %dma_wait3A_62 = arith.constant 0 : i32
    %dma_wait3A_63 = tpu.memref_slice %arg12[%dma_wait3A_60, %dma_wait3A_61, %dma_wait3A_62] : memref<5x128x32xf32, #tpu.memory_space<vmem>> -> memref<1x128x32xf32, #tpu.memory_space<vmem>>
    %dma_wait3A_64 = tpu.memref_squeeze %dma_wait3A_63 : memref<1x128x32xf32, #tpu.memory_space<vmem>> -> memref<128x32xf32, #tpu.memory_space<vmem>>
    %dma_wait3A_65 = arith.constant 0 : i32
    %dma_wait3A_66 = tpu.memref_slice %arg11[%dma_wait3A_59, %dma_wait3A_65] : memref<5x128xi32, #tpu.memory_space<vmem>> -> memref<1x128xi32, #tpu.memory_space<vmem>>
    %dma_wait3A_67 = tpu.memref_squeeze %dma_wait3A_66 : memref<1x128xi32, #tpu.memory_space<vmem>> -> memref<128xi32, #tpu.memory_space<vmem>>
    %dma_wait3A_68 = arith.constant 0 : i32
    %dma_wait3A_69 = arith.constant 0 : i32
    %dma_wait3A_70 = tpu.memref_slice %arg2[%dma_wait3A_68, %dma_wait3A_69] : memref<200010x32xf32, #tpu.memory_space<hbm>> -> memref<200010x32xf32, #tpu.memory_space<hbm>>
    tpu.wait_indirect_dma semaphore(%arg17 : memref<!tpu.dma_semaphore, #tpu.memory_space<semaphore_mem>>) src(%dma_wait3A_70 : memref<200010x32xf32, #tpu.memory_space<hbm>>) dst(%dma_wait3A_64 : memref<128x32xf32, #tpu.memory_space<vmem>>)
    %dma_start3A_71 = arith.constant 3 : i32
    %dma_start3A_72 = arith.constant 3 : i32
    %dma_start3A_73 = arith.constant 0 : i32
    %dma_start3A_74 = arith.constant 0 : i32
    %dma_start3A_75 = tpu.memref_slice %arg12[%dma_start3A_72, %dma_start3A_73, %dma_start3A_74] : memref<5x128x32xf32, #tpu.memory_space<vmem>> -> memref<1x128x32xf32, #tpu.memory_space<vmem>>
    %dma_start3A_76 = tpu.memref_squeeze %dma_start3A_75 : memref<1x128x32xf32, #tpu.memory_space<vmem>> -> memref<128x32xf32, #tpu.memory_space<vmem>>
    %dma_start3A_77 = arith.constant 0 : i32
    %dma_start3A_78 = tpu.memref_slice %arg11[%dma_start3A_71, %dma_start3A_77] : memref<5x128xi32, #tpu.memory_space<vmem>> -> memref<1x128xi32, #tpu.memory_space<vmem>>
    %dma_start3A_79 = tpu.memref_squeeze %dma_start3A_78 : memref<1x128xi32, #tpu.memory_space<vmem>> -> memref<128xi32, #tpu.memory_space<vmem>>
    %dma_start3A_80 = arith.constant 0 : i32
    %dma_start3A_81 = arith.constant 0 : i32
    %dma_start3A_82 = tpu.memref_slice %arg2[%dma_start3A_80, %dma_start3A_81] : memref<200010x32xf32, #tpu.memory_space<hbm>> -> memref<200010x32xf32, #tpu.memory_space<hbm>>
    tpu.enqueue_indirect_dma source(%dma_start3A_82 : memref<200010x32xf32, #tpu.memory_space<hbm>>) target(%dma_start3A_76 : memref<128x32xf32, #tpu.memory_space<vmem>>) offsets(%dma_start3A_79 : memref<128xi32, #tpu.memory_space<vmem>>) semaphore(%arg17 : memref<!tpu.dma_semaphore, #tpu.memory_space<semaphore_mem>>)
    %dma_wait3A_83 = arith.constant 3 : i32
    %dma_wait3A_84 = arith.constant 3 : i32
    %dma_wait3A_85 = arith.constant 0 : i32
    %dma_wait3A_86 = arith.constant 0 : i32
    %dma_wait3A_87 = tpu.memref_slice %arg12[%dma_wait3A_84, %dma_wait3A_85, %dma_wait3A_86] : memref<5x128x32xf32, #tpu.memory_space<vmem>> -> memref<1x128x32xf32, #tpu.memory_space<vmem>>
    %dma_wait3A_88 = tpu.memref_squeeze %dma_wait3A_87 : memref<1x128x32xf32, #tpu.memory_space<vmem>> -> memref<128x32xf32, #tpu.memory_space<vmem>>
    %dma_wait3A_89 = arith.constant 0 : i32
    %dma_wait3A_90 = tpu.memref_slice %arg11[%dma_wait3A_83, %dma_wait3A_89] : memref<5x128xi32, #tpu.memory_space<vmem>> -> memref<1x128xi32, #tpu.memory_space<vmem>>
    %dma_wait3A_91 = tpu.memref_squeeze %dma_wait3A_90 : memref<1x128xi32, #tpu.memory_space<vmem>> -> memref<128xi32, #tpu.memory_space<vmem>>
    %dma_wait3A_92 = arith.constant 0 : i32
    %dma_wait3A_93 = arith.constant 0 : i32
    %dma_wait3A_94 = tpu.memref_slice %arg2[%dma_wait3A_92, %dma_wait3A_93] : memref<200010x32xf32, #tpu.memory_space<hbm>> -> memref<200010x32xf32, #tpu.memory_space<hbm>>
    tpu.wait_indirect_dma semaphore(%arg17 : memref<!tpu.dma_semaphore, #tpu.memory_space<semaphore_mem>>) src(%dma_wait3A_94 : memref<200010x32xf32, #tpu.memory_space<hbm>>) dst(%dma_wait3A_88 : memref<128x32xf32, #tpu.memory_space<vmem>>)
    %dma_start3A_95 = arith.constant 4 : i32
    %dma_start3A_96 = arith.constant 4 : i32
    %dma_start3A_97 = arith.constant 0 : i32
    %dma_start3A_98 = arith.constant 0 : i32
    %dma_start3A_99 = tpu.memref_slice %arg12[%dma_start3A_96, %dma_start3A_97, %dma_start3A_98] : memref<5x128x32xf32, #tpu.memory_space<vmem>> -> memref<1x128x32xf32, #tpu.memory_space<vmem>>
    %dma_start3A_100 = tpu.memref_squeeze %dma_start3A_99 : memref<1x128x32xf32, #tpu.memory_space<vmem>> -> memref<128x32xf32, #tpu.memory_space<vmem>>
    %dma_start3A_101 = arith.constant 0 : i32
    %dma_start3A_102 = tpu.memref_slice %arg11[%dma_start3A_95, %dma_start3A_101] : memref<5x128xi32, #tpu.memory_space<vmem>> -> memref<1x128xi32, #tpu.memory_space<vmem>>
    %dma_start3A_103 = tpu.memref_squeeze %dma_start3A_102 : memref<1x128xi32, #tpu.memory_space<vmem>> -> memref<128xi32, #tpu.memory_space<vmem>>
    %dma_start3A_104 = arith.constant 0 : i32
    %dma_start3A_105 = arith.constant 0 : i32
    %dma_start3A_106 = tpu.memref_slice %arg2[%dma_start3A_104, %dma_start3A_105] : memref<200010x32xf32, #tpu.memory_space<hbm>> -> memref<200010x32xf32, #tpu.memory_space<hbm>>
    tpu.enqueue_indirect_dma source(%dma_start3A_106 : memref<200010x32xf32, #tpu.memory_space<hbm>>) target(%dma_start3A_100 : memref<128x32xf32, #tpu.memory_space<vmem>>) offsets(%dma_start3A_103 : memref<128xi32, #tpu.memory_space<vmem>>) semaphore(%arg17 : memref<!tpu.dma_semaphore, #tpu.memory_space<semaphore_mem>>)
    %dma_wait3A_107 = arith.constant 4 : i32
    %dma_wait3A_108 = arith.constant 4 : i32
    %dma_wait3A_109 = arith.constant 0 : i32
    %dma_wait3A_110 = arith.constant 0 : i32
    %dma_wait3A_111 = tpu.memref_slice %arg12[%dma_wait3A_108, %dma_wait3A_109, %dma_wait3A_110] : memref<5x128x32xf32, #tpu.memory_space<vmem>> -> memref<1x128x32xf32, #tpu.memory_space<vmem>>
    %dma_wait3A_112 = tpu.memref_squeeze %dma_wait3A_111 : memref<1x128x32xf32, #tpu.memory_space<vmem>> -> memref<128x32xf32, #tpu.memory_space<vmem>>
    %dma_wait3A_113 = arith.constant 0 : i32
    %dma_wait3A_114 = tpu.memref_slice %arg11[%dma_wait3A_107, %dma_wait3A_113] : memref<5x128xi32, #tpu.memory_space<vmem>> -> memref<1x128xi32, #tpu.memory_space<vmem>>
    %dma_wait3A_115 = tpu.memref_squeeze %dma_wait3A_114 : memref<1x128xi32, #tpu.memory_space<vmem>> -> memref<128xi32, #tpu.memory_space<vmem>>
    %dma_wait3A_116 = arith.constant 0 : i32
    %dma_wait3A_117 = arith.constant 0 : i32
    %dma_wait3A_118 = tpu.memref_slice %arg2[%dma_wait3A_116, %dma_wait3A_117] : memref<200010x32xf32, #tpu.memory_space<hbm>> -> memref<200010x32xf32, #tpu.memory_space<hbm>>
    tpu.wait_indirect_dma semaphore(%arg17 : memref<!tpu.dma_semaphore, #tpu.memory_space<semaphore_mem>>) src(%dma_wait3A_118 : memref<200010x32xf32, #tpu.memory_space<hbm>>) dst(%dma_wait3A_112 : memref<128x32xf32, #tpu.memory_space<vmem>>)
    %mul3A_119 = arith.constant 5 : i32
    %mul3A_120 = arith.muli %add3A, %mul3A_119 : i32
    "tpu.region"() ({
      %run_scoped3A = tpu.sem_alloc : memref<!tpu.dma_semaphore, #tpu.memory_space<semaphore_mem>>
      %dma_start3A_149 = arith.constant 0 : i32
      %dma_start3A_150 = arith.constant 0 : i32
      %dma_start3A_151 = tpu.memref_slice %arg8[%mul3A_120, %dma_start3A_149, %dma_start3A_150] : memref<160x128x32xf32, #tpu.memory_space<hbm>> -> memref<5x128x32xf32, #tpu.memory_space<hbm>>
      %dma_start3A_152 = arith.constant 0 : i32
      %dma_start3A_153 = arith.constant 0 : i32
      %dma_start3A_154 = tpu.memref_slice %arg8[%mul3A_120, %dma_start3A_152, %dma_start3A_153] : memref<160x128x32xf32, #tpu.memory_space<hbm>> -> memref<5x128x32xf32, #tpu.memory_space<hbm>>
      tpu.enqueue_dma source(%arg12 : memref<5x128x32xf32, #tpu.memory_space<vmem>>) target(%dma_start3A_154 : memref<5x128x32xf32, #tpu.memory_space<hbm>>) target_semaphore(%run_scoped3A : memref<!tpu.dma_semaphore, #tpu.memory_space<semaphore_mem>>)
      %dma_wait3A_155 = arith.constant 0 : i32
      %dma_wait3A_156 = arith.constant 0 : i32
      %dma_wait3A_157 = tpu.memref_slice %arg8[%mul3A_120, %dma_wait3A_155, %dma_wait3A_156] : memref<160x128x32xf32, #tpu.memory_space<hbm>> -> memref<5x128x32xf32, #tpu.memory_space<hbm>>
      %dma_wait3A_158 = arith.constant 0 : i32
      %dma_wait3A_159 = arith.constant 0 : i32
      %dma_wait3A_160 = tpu.memref_slice %arg8[%mul3A_120, %dma_wait3A_158, %dma_wait3A_159] : memref<160x128x32xf32, #tpu.memory_space<hbm>> -> memref<5x128x32xf32, #tpu.memory_space<hbm>>
      tpu.wait_dma2 semaphore(%run_scoped3A : memref<!tpu.dma_semaphore, #tpu.memory_space<semaphore_mem>>) src(%arg12 : memref<5x128x32xf32, #tpu.memory_space<vmem>>) dst(%dma_wait3A_160 : memref<5x128x32xf32, #tpu.memory_space<hbm>>)
      tpu.yield
    }) : () -> ()
    "tpu.region"() ({
      %run_scoped3A = tpu.sem_alloc : memref<!tpu.dma_semaphore, #tpu.memory_space<semaphore_mem>>
      %dma_start3A_149 = arith.constant 0 : i32
      %dma_start3A_150 = arith.constant 0 : i32
      %dma_start3A_151 = tpu.memref_slice %arg5[%add3A, %dma_start3A_149, %dma_start3A_150] : memref<32x1x64xi32, #tpu.memory_space<hbm>> -> memref<1x1x64xi32, #tpu.memory_space<hbm>>
      %dma_start3A_152 = tpu.memref_squeeze %dma_start3A_151 : memref<1x1x64xi32, #tpu.memory_space<hbm>> -> memref<1x64xi32, #tpu.memory_space<hbm>>
      %dma_start3A_153 = arith.constant 0 : i32
      %dma_start3A_154 = arith.constant 0 : i32
      %dma_start3A_155 = tpu.memref_slice %arg5[%add3A, %dma_start3A_153, %dma_start3A_154] : memref<32x1x64xi32, #tpu.memory_space<hbm>> -> memref<1x1x64xi32, #tpu.memory_space<hbm>>
      %dma_start3A_156 = tpu.memref_squeeze %dma_start3A_155 : memref<1x1x64xi32, #tpu.memory_space<hbm>> -> memref<1x64xi32, #tpu.memory_space<hbm>>
      tpu.enqueue_dma source(%dma_start3A_156 : memref<1x64xi32, #tpu.memory_space<hbm>>) target(%arg13 : memref<1x64xi32, #tpu.memory_space<vmem>>) target_semaphore(%run_scoped3A : memref<!tpu.dma_semaphore, #tpu.memory_space<semaphore_mem>>)
      %dma_wait3A_157 = arith.constant 0 : i32
      %dma_wait3A_158 = arith.constant 0 : i32
      %dma_wait3A_159 = tpu.memref_slice %arg5[%add3A, %dma_wait3A_157, %dma_wait3A_158] : memref<32x1x64xi32, #tpu.memory_space<hbm>> -> memref<1x1x64xi32, #tpu.memory_space<hbm>>
      %dma_wait3A_160 = tpu.memref_squeeze %dma_wait3A_159 : memref<1x1x64xi32, #tpu.memory_space<hbm>> -> memref<1x64xi32, #tpu.memory_space<hbm>>
      %dma_wait3A_161 = arith.constant 0 : i32
      %dma_wait3A_162 = arith.constant 0 : i32
      %dma_wait3A_163 = tpu.memref_slice %arg5[%add3A, %dma_wait3A_161, %dma_wait3A_162] : memref<32x1x64xi32, #tpu.memory_space<hbm>> -> memref<1x1x64xi32, #tpu.memory_space<hbm>>
      %dma_wait3A_164 = tpu.memref_squeeze %dma_wait3A_163 : memref<1x1x64xi32, #tpu.memory_space<hbm>> -> memref<1x64xi32, #tpu.memory_space<hbm>>
      tpu.wait_dma2 semaphore(%run_scoped3A : memref<!tpu.dma_semaphore, #tpu.memory_space<semaphore_mem>>) src(%dma_wait3A_164 : memref<1x64xi32, #tpu.memory_space<hbm>>) dst(%arg13 : memref<1x64xi32, #tpu.memory_space<vmem>>)
      tpu.yield
    }) : () -> ()
    %dma_start3A_121 = arith.constant 0 : i32
    %dma_start3A_122 = arith.constant 0 : i32
    %dma_start3A_123 = tpu.memref_slice %arg13[%dma_start3A_121, %dma_start3A_122] : memref<1x64xi32, #tpu.memory_space<vmem>> -> memref<1x64xi32, #tpu.memory_space<vmem>>
    %dma_start3A_124 = tpu.memref_squeeze %dma_start3A_123 : memref<1x64xi32, #tpu.memory_space<vmem>> -> memref<64xi32, #tpu.memory_space<vmem>>
    %dma_start3A_125 = arith.constant 0 : i32
    %dma_start3A_126 = arith.constant 0 : i32
    %dma_start3A_127 = tpu.memref_slice %arg4[%dma_start3A_125, %dma_start3A_126] : memref<4601x32xf32, #tpu.memory_space<hbm>> -> memref<4601x32xf32, #tpu.memory_space<hbm>>
    tpu.enqueue_indirect_dma source(%dma_start3A_127 : memref<4601x32xf32, #tpu.memory_space<hbm>>) target(%arg14 : memref<64x32xf32, #tpu.memory_space<vmem>>) offsets(%dma_start3A_124 : memref<64xi32, #tpu.memory_space<vmem>>) semaphore(%arg17 : memref<!tpu.dma_semaphore, #tpu.memory_space<semaphore_mem>>)
    %dma_wait3A_128 = arith.constant 0 : i32
    %dma_wait3A_129 = arith.constant 0 : i32
    %dma_wait3A_130 = tpu.memref_slice %arg13[%dma_wait3A_128, %dma_wait3A_129] : memref<1x64xi32, #tpu.memory_space<vmem>> -> memref<1x64xi32, #tpu.memory_space<vmem>>
    %dma_wait3A_131 = tpu.memref_squeeze %dma_wait3A_130 : memref<1x64xi32, #tpu.memory_space<vmem>> -> memref<64xi32, #tpu.memory_space<vmem>>
    %dma_wait3A_132 = arith.constant 0 : i32
    %dma_wait3A_133 = arith.constant 0 : i32
    %dma_wait3A_134 = tpu.memref_slice %arg4[%dma_wait3A_132, %dma_wait3A_133] : memref<4601x32xf32, #tpu.memory_space<hbm>> -> memref<4601x32xf32, #tpu.memory_space<hbm>>
    tpu.wait_indirect_dma semaphore(%arg17 : memref<!tpu.dma_semaphore, #tpu.memory_space<semaphore_mem>>) src(%dma_wait3A_134 : memref<4601x32xf32, #tpu.memory_space<hbm>>) dst(%arg14 : memref<64x32xf32, #tpu.memory_space<vmem>>)
    "tpu.region"() ({
      %run_scoped3A = tpu.sem_alloc : memref<!tpu.dma_semaphore, #tpu.memory_space<semaphore_mem>>
      %dma_start3A_149 = arith.constant 0 : i32
      %dma_start3A_150 = arith.constant 0 : i32
      %dma_start3A_151 = tpu.memref_slice %arg9[%add3A, %dma_start3A_149, %dma_start3A_150] : memref<32x64x32xf32, #tpu.memory_space<hbm>> -> memref<1x64x32xf32, #tpu.memory_space<hbm>>
      %dma_start3A_152 = tpu.memref_squeeze %dma_start3A_151 : memref<1x64x32xf32, #tpu.memory_space<hbm>> -> memref<64x32xf32, #tpu.memory_space<hbm>>
      %dma_start3A_153 = arith.constant 0 : i32
      %dma_start3A_154 = arith.constant 0 : i32
      %dma_start3A_155 = tpu.memref_slice %arg9[%add3A, %dma_start3A_153, %dma_start3A_154] : memref<32x64x32xf32, #tpu.memory_space<hbm>> -> memref<1x64x32xf32, #tpu.memory_space<hbm>>
      %dma_start3A_156 = tpu.memref_squeeze %dma_start3A_155 : memref<1x64x32xf32, #tpu.memory_space<hbm>> -> memref<64x32xf32, #tpu.memory_space<hbm>>
      tpu.enqueue_dma source(%arg14 : memref<64x32xf32, #tpu.memory_space<vmem>>) target(%dma_start3A_156 : memref<64x32xf32, #tpu.memory_space<hbm>>) target_semaphore(%run_scoped3A : memref<!tpu.dma_semaphore, #tpu.memory_space<semaphore_mem>>)
      %dma_wait3A_157 = arith.constant 0 : i32
      %dma_wait3A_158 = arith.constant 0 : i32
      %dma_wait3A_159 = tpu.memref_slice %arg9[%add3A, %dma_wait3A_157, %dma_wait3A_158] : memref<32x64x32xf32, #tpu.memory_space<hbm>> -> memref<1x64x32xf32, #tpu.memory_space<hbm>>
      %dma_wait3A_160 = tpu.memref_squeeze %dma_wait3A_159 : memref<1x64x32xf32, #tpu.memory_space<hbm>> -> memref<64x32xf32, #tpu.memory_space<hbm>>
      %dma_wait3A_161 = arith.constant 0 : i32
      %dma_wait3A_162 = arith.constant 0 : i32
      %dma_wait3A_163 = tpu.memref_slice %arg9[%add3A, %dma_wait3A_161, %dma_wait3A_162] : memref<32x64x32xf32, #tpu.memory_space<hbm>> -> memref<1x64x32xf32, #tpu.memory_space<hbm>>
      %dma_wait3A_164 = tpu.memref_squeeze %dma_wait3A_163 : memref<1x64x32xf32, #tpu.memory_space<hbm>> -> memref<64x32xf32, #tpu.memory_space<hbm>>
      tpu.wait_dma2 semaphore(%run_scoped3A : memref<!tpu.dma_semaphore, #tpu.memory_space<semaphore_mem>>) src(%arg14 : memref<64x32xf32, #tpu.memory_space<vmem>>) dst(%dma_wait3A_164 : memref<64x32xf32, #tpu.memory_space<hbm>>)
      tpu.yield
    }) : () -> ()
    "tpu.region"() ({
      %run_scoped3A = tpu.sem_alloc : memref<!tpu.dma_semaphore, #tpu.memory_space<semaphore_mem>>
      %dma_start3A_149 = arith.constant 0 : i32
      %dma_start3A_150 = arith.constant 0 : i32
      %dma_start3A_151 = tpu.memref_slice %arg7[%add3A, %dma_start3A_149, %dma_start3A_150] : memref<32x1x32xi32, #tpu.memory_space<hbm>> -> memref<1x1x32xi32, #tpu.memory_space<hbm>>
      %dma_start3A_152 = tpu.memref_squeeze %dma_start3A_151 : memref<1x1x32xi32, #tpu.memory_space<hbm>> -> memref<1x32xi32, #tpu.memory_space<hbm>>
      %dma_start3A_153 = arith.constant 0 : i32
      %dma_start3A_154 = arith.constant 0 : i32
      %dma_start3A_155 = tpu.memref_slice %arg7[%add3A, %dma_start3A_153, %dma_start3A_154] : memref<32x1x32xi32, #tpu.memory_space<hbm>> -> memref<1x1x32xi32, #tpu.memory_space<hbm>>
      %dma_start3A_156 = tpu.memref_squeeze %dma_start3A_155 : memref<1x1x32xi32, #tpu.memory_space<hbm>> -> memref<1x32xi32, #tpu.memory_space<hbm>>
      tpu.enqueue_dma source(%dma_start3A_156 : memref<1x32xi32, #tpu.memory_space<hbm>>) target(%arg15 : memref<1x32xi32, #tpu.memory_space<vmem>>) target_semaphore(%run_scoped3A : memref<!tpu.dma_semaphore, #tpu.memory_space<semaphore_mem>>)
      %dma_wait3A_157 = arith.constant 0 : i32
      %dma_wait3A_158 = arith.constant 0 : i32
      %dma_wait3A_159 = tpu.memref_slice %arg7[%add3A, %dma_wait3A_157, %dma_wait3A_158] : memref<32x1x32xi32, #tpu.memory_space<hbm>> -> memref<1x1x32xi32, #tpu.memory_space<hbm>>
      %dma_wait3A_160 = tpu.memref_squeeze %dma_wait3A_159 : memref<1x1x32xi32, #tpu.memory_space<hbm>> -> memref<1x32xi32, #tpu.memory_space<hbm>>
      %dma_wait3A_161 = arith.constant 0 : i32
      %dma_wait3A_162 = arith.constant 0 : i32
      %dma_wait3A_163 = tpu.memref_slice %arg7[%add3A, %dma_wait3A_161, %dma_wait3A_162] : memref<32x1x32xi32, #tpu.memory_space<hbm>> -> memref<1x1x32xi32, #tpu.memory_space<hbm>>
      %dma_wait3A_164 = tpu.memref_squeeze %dma_wait3A_163 : memref<1x1x32xi32, #tpu.memory_space<hbm>> -> memref<1x32xi32, #tpu.memory_space<hbm>>
      tpu.wait_dma2 semaphore(%run_scoped3A : memref<!tpu.dma_semaphore, #tpu.memory_space<semaphore_mem>>) src(%dma_wait3A_164 : memref<1x32xi32, #tpu.memory_space<hbm>>) dst(%arg15 : memref<1x32xi32, #tpu.memory_space<vmem>>)
      tpu.yield
    }) : () -> ()
    %dma_start3A_135 = arith.constant 0 : i32
    %dma_start3A_136 = arith.constant 0 : i32
    %dma_start3A_137 = tpu.memref_slice %arg15[%dma_start3A_135, %dma_start3A_136] : memref<1x32xi32, #tpu.memory_space<vmem>> -> memref<1x32xi32, #tpu.memory_space<vmem>>
    %dma_start3A_138 = tpu.memref_squeeze %dma_start3A_137 : memref<1x32xi32, #tpu.memory_space<vmem>> -> memref<32xi32, #tpu.memory_space<vmem>>
    %dma_start3A_139 = arith.constant 0 : i32
    %dma_start3A_140 = arith.constant 0 : i32
    %dma_start3A_141 = tpu.memref_slice %arg6[%dma_start3A_139, %dma_start3A_140] : memref<145x32xf32, #tpu.memory_space<hbm>> -> memref<145x32xf32, #tpu.memory_space<hbm>>
    tpu.enqueue_indirect_dma source(%dma_start3A_141 : memref<145x32xf32, #tpu.memory_space<hbm>>) target(%arg16 : memref<32x32xf32, #tpu.memory_space<vmem>>) offsets(%dma_start3A_138 : memref<32xi32, #tpu.memory_space<vmem>>) semaphore(%arg17 : memref<!tpu.dma_semaphore, #tpu.memory_space<semaphore_mem>>)
    %dma_wait3A_142 = arith.constant 0 : i32
    %dma_wait3A_143 = arith.constant 0 : i32
    %dma_wait3A_144 = tpu.memref_slice %arg15[%dma_wait3A_142, %dma_wait3A_143] : memref<1x32xi32, #tpu.memory_space<vmem>> -> memref<1x32xi32, #tpu.memory_space<vmem>>
    %dma_wait3A_145 = tpu.memref_squeeze %dma_wait3A_144 : memref<1x32xi32, #tpu.memory_space<vmem>> -> memref<32xi32, #tpu.memory_space<vmem>>
    %dma_wait3A_146 = arith.constant 0 : i32
    %dma_wait3A_147 = arith.constant 0 : i32
    %dma_wait3A_148 = tpu.memref_slice %arg6[%dma_wait3A_146, %dma_wait3A_147] : memref<145x32xf32, #tpu.memory_space<hbm>> -> memref<145x32xf32, #tpu.memory_space<hbm>>
    tpu.wait_indirect_dma semaphore(%arg17 : memref<!tpu.dma_semaphore, #tpu.memory_space<semaphore_mem>>) src(%dma_wait3A_148 : memref<145x32xf32, #tpu.memory_space<hbm>>) dst(%arg16 : memref<32x32xf32, #tpu.memory_space<vmem>>)
    "tpu.region"() ({
      %run_scoped3A = tpu.sem_alloc : memref<!tpu.dma_semaphore, #tpu.memory_space<semaphore_mem>>
      %dma_start3A_149 = arith.constant 0 : i32
      %dma_start3A_150 = arith.constant 0 : i32
      %dma_start3A_151 = tpu.memref_slice %arg10[%add3A, %dma_start3A_149, %dma_start3A_150] : memref<32x32x32xf32, #tpu.memory_space<hbm>> -> memref<1x32x32xf32, #tpu.memory_space<hbm>>
      %dma_start3A_152 = tpu.memref_squeeze %dma_start3A_151 : memref<1x32x32xf32, #tpu.memory_space<hbm>> -> memref<32x32xf32, #tpu.memory_space<hbm>>
      %dma_start3A_153 = arith.constant 0 : i32
      %dma_start3A_154 = arith.constant 0 : i32
      %dma_start3A_155 = tpu.memref_slice %arg10[%add3A, %dma_start3A_153, %dma_start3A_154] : memref<32x32x32xf32, #tpu.memory_space<hbm>> -> memref<1x32x32xf32, #tpu.memory_space<hbm>>
      %dma_start3A_156 = tpu.memref_squeeze %dma_start3A_155 : memref<1x32x32xf32, #tpu.memory_space<hbm>> -> memref<32x32xf32, #tpu.memory_space<hbm>>
      tpu.enqueue_dma source(%arg16 : memref<32x32xf32, #tpu.memory_space<vmem>>) target(%dma_start3A_156 : memref<32x32xf32, #tpu.memory_space<hbm>>) target_semaphore(%run_scoped3A : memref<!tpu.dma_semaphore, #tpu.memory_space<semaphore_mem>>)
      %dma_wait3A_157 = arith.constant 0 : i32
      %dma_wait3A_158 = arith.constant 0 : i32
      %dma_wait3A_159 = tpu.memref_slice %arg10[%add3A, %dma_wait3A_157, %dma_wait3A_158] : memref<32x32x32xf32, #tpu.memory_space<hbm>> -> memref<1x32x32xf32, #tpu.memory_space<hbm>>
      %dma_wait3A_160 = tpu.memref_squeeze %dma_wait3A_159 : memref<1x32x32xf32, #tpu.memory_space<hbm>> -> memref<32x32xf32, #tpu.memory_space<hbm>>
      %dma_wait3A_161 = arith.constant 0 : i32
      %dma_wait3A_162 = arith.constant 0 : i32
      %dma_wait3A_163 = tpu.memref_slice %arg10[%add3A, %dma_wait3A_161, %dma_wait3A_162] : memref<32x32x32xf32, #tpu.memory_space<hbm>> -> memref<1x32x32xf32, #tpu.memory_space<hbm>>
      %dma_wait3A_164 = tpu.memref_squeeze %dma_wait3A_163 : memref<1x32x32xf32, #tpu.memory_space<hbm>> -> memref<32x32xf32, #tpu.memory_space<hbm>>
      tpu.wait_dma2 semaphore(%run_scoped3A : memref<!tpu.dma_semaphore, #tpu.memory_space<semaphore_mem>>) src(%arg16 : memref<32x32xf32, #tpu.memory_space<vmem>>) dst(%dma_wait3A_164 : memref<32x32xf32, #tpu.memory_space<hbm>>)
      tpu.yield
    }) : () -> ()
    return
  }
}

module attributes {stable_mosaic.version = 14 : i64} {
  func.func @_lstm_body(%arg0: memref<20x1024x40xf32, #tpu.memory_space<vmem>>, %arg1: memref<40x128xf32, #tpu.memory_space<vmem>>, %arg2: memref<1x128xf32, #tpu.memory_space<vmem>>, %arg3: memref<128x512xf32, #tpu.memory_space<vmem>>, %arg4: memref<128x512xf32, #tpu.memory_space<vmem>>, %arg5: memref<1x512xf32, #tpu.memory_space<vmem>>, %arg6: memref<128x512xf32, #tpu.memory_space<vmem>>, %arg7: memref<128x512xf32, #tpu.memory_space<vmem>>, %arg8: memref<1x512xf32, #tpu.memory_space<vmem>>, %arg9: memref<20x1024x128xf32, #tpu.memory_space<vmem>>) attributes {dimension_semantics = [], scalar_prefetch = 0 : i64, scratch_operands = 0 : i64, tpu.core_type = #tpu.core_type<tc>} {
    %get3A = arith.constant 0 : index
    %get3A_0 = arith.constant 0 : index
    %get3A_1 = vector.load %arg1[%get3A, %get3A_0] : memref<40x128xf32, #tpu.memory_space<vmem>>, vector<40x128xf32>
    %get3A_2 = arith.constant 0 : index
    %get3A_3 = arith.constant 0 : index
    %get3A_4 = vector.load %arg2[%get3A_2, %get3A_3] : memref<1x128xf32, #tpu.memory_space<vmem>>, vector<1x128xf32>
    %get3A_5 = arith.constant 0 : index
    %get3A_6 = arith.constant 0 : index
    %get3A_7 = vector.load %arg3[%get3A_5, %get3A_6] : memref<128x512xf32, #tpu.memory_space<vmem>>, vector<128x512xf32>
    %get3A_8 = arith.constant 0 : index
    %get3A_9 = arith.constant 0 : index
    %get3A_10 = vector.load %arg4[%get3A_8, %get3A_9] : memref<128x512xf32, #tpu.memory_space<vmem>>, vector<128x512xf32>
    %get3A_11 = arith.constant 0 : index
    %get3A_12 = arith.constant 0 : index
    %get3A_13 = vector.load %arg5[%get3A_11, %get3A_12] : memref<1x512xf32, #tpu.memory_space<vmem>>, vector<1x512xf32>
    %get3A_14 = arith.constant 0 : index
    %get3A_15 = arith.constant 0 : index
    %get3A_16 = vector.load %arg6[%get3A_14, %get3A_15] : memref<128x512xf32, #tpu.memory_space<vmem>>, vector<128x512xf32>
    %get3A_17 = arith.constant 0 : index
    %get3A_18 = arith.constant 0 : index
    %get3A_19 = vector.load %arg7[%get3A_17, %get3A_18] : memref<128x512xf32, #tpu.memory_space<vmem>>, vector<128x512xf32>
    %get3A_20 = arith.constant 0 : index
    %get3A_21 = arith.constant 0 : index
    %get3A_22 = vector.load %arg8[%get3A_20, %get3A_21] : memref<1x512xf32, #tpu.memory_space<vmem>>, vector<1x512xf32>
    %broadcast_in_dim3A = arith.constant 0.000000e+00 : f32
    %broadcast_in_dim3A_23 = vector.broadcast %broadcast_in_dim3A : f32 to vector<1024x128xf32>
    %scan3A = arith.constant 0 : i32
    %scan3A_24 = arith.constant 20 : i32
    %scan3A_25 = arith.addi %scan3A, %scan3A_24 : i32
    %scan3A_26 = arith.constant 1 : i32
    %scan3A_27:4 = scf.for %scan3A_29 = %scan3A to %scan3A_25 step %scan3A_26 iter_args(%scan3A_30 = %broadcast_in_dim3A_23, %scan3A_31 = %broadcast_in_dim3A_23, %scan3A_32 = %broadcast_in_dim3A_23, %scan3A_33 = %broadcast_in_dim3A_23) -> (vector<1024x128xf32>, vector<1024x128xf32>, vector<1024x128xf32>, vector<1024x128xf32>)  : i32 {
      %get3A_34 = arith.index_cast %scan3A_29 : i32 to index
      %get3A_35 = arith.constant 0 : index
      %get3A_36 = arith.constant 0 : index
      %get3A_37 = vector.load %arg0[%get3A_34, %get3A_35, %get3A_36] : memref<20x1024x40xf32, #tpu.memory_space<vmem>>, vector<1x1024x40xf32>
      %get3A_38 = vector.shape_cast %get3A_37 : vector<1x1024x40xf32> to vector<1024x40xf32>
      %dot_general3A = arith.constant dense<0.000000e+00> : vector<1024x128xf32>
      %dot_general3A_39 = tpu.matmul %get3A_38, %get3A_1, %dot_general3A {dimension_numbers = #tpu.dot_dimension_numbers<[1], [0], [0], [1], [0, 0, 1, 1], [], []>, transpose_lhs_hint = false} : vector<1024x40xf32>, vector<40x128xf32>, vector<1024x128xf32> -> vector<1024x128xf32>
      %add3A = vector.broadcast %get3A_4 : vector<1x128xf32> to vector<1024x128xf32>
      %add3A_40 = arith.addf %dot_general3A_39, %add3A : vector<1024x128xf32>
      %max3A = arith.constant 0.000000e+00 : f32
      %max3A_41 = vector.broadcast %max3A : f32 to vector<1024x128xf32>
      %max3A_42 = arith.maximumf %add3A_40, %max3A_41 : vector<1024x128xf32>
      %dot_general3A_43 = arith.constant dense<0.000000e+00> : vector<1024x512xf32>
      %dot_general3A_44 = tpu.matmul %max3A_42, %get3A_7, %dot_general3A_43 {dimension_numbers = #tpu.dot_dimension_numbers<[1], [0], [0], [1], [0, 0, 1, 1], [], []>, transpose_lhs_hint = false} : vector<1024x128xf32>, vector<128x512xf32>, vector<1024x512xf32> -> vector<1024x512xf32>
      %dot_general3A_45 = arith.constant dense<0.000000e+00> : vector<1024x512xf32>
      %dot_general3A_46 = tpu.matmul %scan3A_30, %get3A_10, %dot_general3A_45 {dimension_numbers = #tpu.dot_dimension_numbers<[1], [0], [0], [1], [0, 0, 1, 1], [], []>, transpose_lhs_hint = false} : vector<1024x128xf32>, vector<128x512xf32>, vector<1024x512xf32> -> vector<1024x512xf32>
      %add3A_47 = arith.addf %dot_general3A_44, %dot_general3A_46 : vector<1024x512xf32>
      %add3A_48 = vector.broadcast %get3A_13 : vector<1x512xf32> to vector<1024x512xf32>
      %add3A_49 = arith.addf %add3A_47, %add3A_48 : vector<1024x512xf32>
      %slice3A = vector.extract_strided_slice %add3A_49 {offsets = [0, 0], sizes = [1024, 128], strides = [1, 1]} : vector<1024x512xf32> to vector<1024x128xf32>
      %logistic3A = arith.negf %slice3A : vector<1024x128xf32>
      %logistic3A_50 = math.exp %logistic3A : vector<1024x128xf32>
      %logistic3A_51 = arith.constant 1.000000e+00 : f32
      %logistic3A_52 = vector.broadcast %logistic3A_51 : f32 to vector<1024x128xf32>
      %logistic3A_53 = arith.addf %logistic3A_52, %logistic3A_50 : vector<1024x128xf32>
      %logistic3A_54 = arith.divf %logistic3A_52, %logistic3A_53 : vector<1024x128xf32>
      %slice3A_55 = vector.extract_strided_slice %add3A_49 {offsets = [0, 128], sizes = [1024, 128], strides = [1, 1]} : vector<1024x512xf32> to vector<1024x128xf32>
      %logistic3A_56 = arith.negf %slice3A_55 : vector<1024x128xf32>
      %logistic3A_57 = math.exp %logistic3A_56 : vector<1024x128xf32>
      %logistic3A_58 = arith.constant 1.000000e+00 : f32
      %logistic3A_59 = vector.broadcast %logistic3A_58 : f32 to vector<1024x128xf32>
      %logistic3A_60 = arith.addf %logistic3A_59, %logistic3A_57 : vector<1024x128xf32>
      %logistic3A_61 = arith.divf %logistic3A_59, %logistic3A_60 : vector<1024x128xf32>
      %slice3A_62 = vector.extract_strided_slice %add3A_49 {offsets = [0, 256], sizes = [1024, 128], strides = [1, 1]} : vector<1024x512xf32> to vector<1024x128xf32>
      %tanh3A = math.tanh %slice3A_62 : vector<1024x128xf32>
      %slice3A_63 = vector.extract_strided_slice %add3A_49 {offsets = [0, 384], sizes = [1024, 128], strides = [1, 1]} : vector<1024x512xf32> to vector<1024x128xf32>
      %logistic3A_64 = arith.negf %slice3A_63 : vector<1024x128xf32>
      %logistic3A_65 = math.exp %logistic3A_64 : vector<1024x128xf32>
      %logistic3A_66 = arith.constant 1.000000e+00 : f32
      %logistic3A_67 = vector.broadcast %logistic3A_66 : f32 to vector<1024x128xf32>
      %logistic3A_68 = arith.addf %logistic3A_67, %logistic3A_65 : vector<1024x128xf32>
      %logistic3A_69 = arith.divf %logistic3A_67, %logistic3A_68 : vector<1024x128xf32>
      %mul3A = arith.mulf %logistic3A_61, %scan3A_31 : vector<1024x128xf32>
      %mul3A_70 = arith.mulf %logistic3A_54, %tanh3A : vector<1024x128xf32>
      %add3A_71 = arith.addf %mul3A, %mul3A_70 : vector<1024x128xf32>
      %tanh3A_72 = math.tanh %add3A_71 : vector<1024x128xf32>
      %mul3A_73 = arith.mulf %logistic3A_69, %tanh3A_72 : vector<1024x128xf32>
      %dot_general3A_74 = arith.constant dense<0.000000e+00> : vector<1024x512xf32>
      %dot_general3A_75 = tpu.matmul %mul3A_73, %get3A_16, %dot_general3A_74 {dimension_numbers = #tpu.dot_dimension_numbers<[1], [0], [0], [1], [0, 0, 1, 1], [], []>, transpose_lhs_hint = false} : vector<1024x128xf32>, vector<128x512xf32>, vector<1024x512xf32> -> vector<1024x512xf32>
      %dot_general3A_76 = arith.constant dense<0.000000e+00> : vector<1024x512xf32>
      %dot_general3A_77 = tpu.matmul %scan3A_32, %get3A_19, %dot_general3A_76 {dimension_numbers = #tpu.dot_dimension_numbers<[1], [0], [0], [1], [0, 0, 1, 1], [], []>, transpose_lhs_hint = false} : vector<1024x128xf32>, vector<128x512xf32>, vector<1024x512xf32> -> vector<1024x512xf32>
      %add3A_78 = arith.addf %dot_general3A_75, %dot_general3A_77 : vector<1024x512xf32>
      %add3A_79 = vector.broadcast %get3A_22 : vector<1x512xf32> to vector<1024x512xf32>
      %add3A_80 = arith.addf %add3A_78, %add3A_79 : vector<1024x512xf32>
      %slice3A_81 = vector.extract_strided_slice %add3A_80 {offsets = [0, 0], sizes = [1024, 128], strides = [1, 1]} : vector<1024x512xf32> to vector<1024x128xf32>
      %logistic3A_82 = arith.negf %slice3A_81 : vector<1024x128xf32>
      %logistic3A_83 = math.exp %logistic3A_82 : vector<1024x128xf32>
      %logistic3A_84 = arith.constant 1.000000e+00 : f32
      %logistic3A_85 = vector.broadcast %logistic3A_84 : f32 to vector<1024x128xf32>
      %logistic3A_86 = arith.addf %logistic3A_85, %logistic3A_83 : vector<1024x128xf32>
      %logistic3A_87 = arith.divf %logistic3A_85, %logistic3A_86 : vector<1024x128xf32>
      %slice3A_88 = vector.extract_strided_slice %add3A_80 {offsets = [0, 128], sizes = [1024, 128], strides = [1, 1]} : vector<1024x512xf32> to vector<1024x128xf32>
      %logistic3A_89 = arith.negf %slice3A_88 : vector<1024x128xf32>
      %logistic3A_90 = math.exp %logistic3A_89 : vector<1024x128xf32>
      %logistic3A_91 = arith.constant 1.000000e+00 : f32
      %logistic3A_92 = vector.broadcast %logistic3A_91 : f32 to vector<1024x128xf32>
      %logistic3A_93 = arith.addf %logistic3A_92, %logistic3A_90 : vector<1024x128xf32>
      %logistic3A_94 = arith.divf %logistic3A_92, %logistic3A_93 : vector<1024x128xf32>
      %slice3A_95 = vector.extract_strided_slice %add3A_80 {offsets = [0, 256], sizes = [1024, 128], strides = [1, 1]} : vector<1024x512xf32> to vector<1024x128xf32>
      %tanh3A_96 = math.tanh %slice3A_95 : vector<1024x128xf32>
      %slice3A_97 = vector.extract_strided_slice %add3A_80 {offsets = [0, 384], sizes = [1024, 128], strides = [1, 1]} : vector<1024x512xf32> to vector<1024x128xf32>
      %logistic3A_98 = arith.negf %slice3A_97 : vector<1024x128xf32>
      %logistic3A_99 = math.exp %logistic3A_98 : vector<1024x128xf32>
      %logistic3A_100 = arith.constant 1.000000e+00 : f32
      %logistic3A_101 = vector.broadcast %logistic3A_100 : f32 to vector<1024x128xf32>
      %logistic3A_102 = arith.addf %logistic3A_101, %logistic3A_99 : vector<1024x128xf32>
      %logistic3A_103 = arith.divf %logistic3A_101, %logistic3A_102 : vector<1024x128xf32>
      %mul3A_104 = arith.mulf %logistic3A_94, %scan3A_33 : vector<1024x128xf32>
      %mul3A_105 = arith.mulf %logistic3A_87, %tanh3A_96 : vector<1024x128xf32>
      %add3A_106 = arith.addf %mul3A_104, %mul3A_105 : vector<1024x128xf32>
      %tanh3A_107 = math.tanh %add3A_106 : vector<1024x128xf32>
      %mul3A_108 = arith.mulf %logistic3A_103, %tanh3A_107 : vector<1024x128xf32>
      %swap3A = arith.index_cast %scan3A_29 : i32 to index
      %swap3A_109 = arith.constant 0 : index
      %swap3A_110 = arith.constant 0 : index
      %swap3A_111 = vector.load %arg9[%swap3A, %swap3A_109, %swap3A_110] : memref<20x1024x128xf32, #tpu.memory_space<vmem>>, vector<1x1024x128xf32>
      %swap3A_112 = vector.shape_cast %swap3A_111 : vector<1x1024x128xf32> to vector<1024x128xf32>
      %swap3A_113 = vector.shape_cast %mul3A_108 : vector<1024x128xf32> to vector<1x1024x128xf32>
      tpu.vector_store %arg9[%swap3A, %swap3A_109, %swap3A_110], %swap3A_113 {strides = array<i32>} : memref<20x1024x128xf32, #tpu.memory_space<vmem>>, vector<1x1024x128xf32>,
      scf.yield %mul3A_73, %add3A_71, %mul3A_108, %add3A_106 : vector<1024x128xf32>, vector<1024x128xf32>, vector<1024x128xf32>, vector<1024x128xf32>
    }
    %scan3A_28 = arith.constant 20 : i32
    return
  }
}

module attributes {stable_mosaic.version = 14 : i64} {
  func.func @_moe_body(%arg0: i32, %arg1: memref<20x128x128xf32, #tpu.memory_space<vmem>>, %arg2: memref<20x128x8xf32, #tpu.memory_space<vmem>>, %arg3: memref<20x128xi32, #tpu.memory_space<vmem>>, %arg4: memref<128x8xf32, #tpu.memory_space<vmem>>, %arg5: memref<1x8xf32, #tpu.memory_space<vmem>>, %arg6: memref<128x8xf32, #tpu.memory_space<vmem>>, %arg7: memref<1x8xf32, #tpu.memory_space<vmem>>, %arg8: memref<8x128x512xf32, #tpu.memory_space<vmem>>, %arg9: memref<8x512xf32, #tpu.memory_space<vmem>>, %arg10: memref<8x512x128xf32, #tpu.memory_space<vmem>>, %arg11: memref<8x128xf32, #tpu.memory_space<vmem>>, %arg12: memref<128x128xf32, #tpu.memory_space<vmem>>) attributes {dimension_semantics = [#tpu.dimension_semantics<arbitrary>], iteration_bounds = array<i64: 8>, scalar_prefetch = 0 : i64, scratch_operands = 0 : i64, tpu.core_type = #tpu.core_type<tc>, window_params = [{transform_indices = @transform_0, window_bounds = array<i64: 20, 128, 128>}, {transform_indices = @transform_1, window_bounds = array<i64: 20, 128, 8>}, {transform_indices = @transform_2, window_bounds = array<i64: 20, 128>}, {pipeline_mode = #tpu.pipeline_mode<synchronous>, transform_indices = @transform_3, window_bounds = array<i64: 128, 8>}, {pipeline_mode = #tpu.pipeline_mode<synchronous>, transform_indices = @transform_4, window_bounds = array<i64: 1, 8>}, {pipeline_mode = #tpu.pipeline_mode<synchronous>, transform_indices = @transform_5, window_bounds = array<i64: 128, 8>}, {pipeline_mode = #tpu.pipeline_mode<synchronous>, transform_indices = @transform_6, window_bounds = array<i64: 1, 8>}, {pipeline_mode = #tpu.pipeline_mode<synchronous>, transform_indices = @transform_7, window_bounds = array<i64: 8, 128, 512>}, {pipeline_mode = #tpu.pipeline_mode<synchronous>, transform_indices = @transform_8, window_bounds = array<i64: 8, 512>}, {pipeline_mode = #tpu.pipeline_mode<synchronous>, transform_indices = @transform_9, window_bounds = array<i64: 8, 512, 128>}, {pipeline_mode = #tpu.pipeline_mode<synchronous>, transform_indices = @transform_10, window_bounds = array<i64: 8, 128>}, {transform_indices = @transform_11, window_bounds = array<i64: 128, 128>}]} {
    %get3A = arith.constant 0 : index
    %get3A_0 = arith.constant 0 : index
    %get3A_1 = arith.constant 0 : index
    %get3A_2 = vector.load %arg1[%get3A, %get3A_0, %get3A_1] : memref<20x128x128xf32, #tpu.memory_space<vmem>>, vector<20x128x128xf32>
    %reshape3A = vector.shape_cast %get3A_2 : vector<20x128x128xf32> to vector<2560x128xf32>
    %get3A_3 = arith.constant 0 : index
    %get3A_4 = arith.constant 0 : index
    %get3A_5 = vector.load %arg4[%get3A_3, %get3A_4] : memref<128x8xf32, #tpu.memory_space<vmem>>, vector<128x8xf32>
    %dot_general3A = arith.constant dense<0.000000e+00> : vector<2560x8xf32>
    %dot_general3A_6 = tpu.matmul %reshape3A, %get3A_5, %dot_general3A {dimension_numbers = #tpu.dot_dimension_numbers<[1], [0], [0], [1], [0, 0, 1, 1], [], []>, transpose_lhs_hint = false} : vector<2560x128xf32>, vector<128x8xf32>, vector<2560x8xf32> -> vector<2560x8xf32>
    %get3A_7 = arith.constant 0 : index
    %get3A_8 = arith.constant 0 : index
    %get3A_9 = vector.load %arg5[%get3A_7, %get3A_8] : memref<1x8xf32, #tpu.memory_space<vmem>>, vector<1x8xf32>
    %add3A = vector.broadcast %get3A_9 : vector<1x8xf32> to vector<2560x8xf32>
    %add3A_10 = arith.addf %dot_general3A_6, %add3A : vector<2560x8xf32>
    %get3A_11 = arith.constant 0 : index
    %get3A_12 = arith.constant 0 : index
    %get3A_13 = vector.load %arg6[%get3A_11, %get3A_12] : memref<128x8xf32, #tpu.memory_space<vmem>>, vector<128x8xf32>
    %dot_general3A_14 = arith.constant dense<0.000000e+00> : vector<2560x8xf32>
    %dot_general3A_15 = tpu.matmul %reshape3A, %get3A_13, %dot_general3A_14 {dimension_numbers = #tpu.dot_dimension_numbers<[1], [0], [0], [1], [0, 0, 1, 1], [], []>, transpose_lhs_hint = false} : vector<2560x128xf32>, vector<128x8xf32>, vector<2560x8xf32> -> vector<2560x8xf32>
    %get3A_16 = arith.constant 0 : index
    %get3A_17 = arith.constant 0 : index
    %get3A_18 = vector.load %arg7[%get3A_16, %get3A_17] : memref<1x8xf32, #tpu.memory_space<vmem>>, vector<1x8xf32>
    %add3A_19 = vector.broadcast %get3A_18 : vector<1x8xf32> to vector<2560x8xf32>
    %add3A_20 = arith.addf %dot_general3A_15, %add3A_19 : vector<2560x8xf32>
    %get3A_21 = arith.constant 0 : index
    %get3A_22 = arith.constant 0 : index
    %get3A_23 = arith.constant 0 : index
    %get3A_24 = vector.load %arg2[%get3A_21, %get3A_22, %get3A_23] : memref<20x128x8xf32, #tpu.memory_space<vmem>>, vector<20x128x8xf32>
    %reshape3A_25 = vector.shape_cast %get3A_24 : vector<20x128x8xf32> to vector<2560x8xf32>
    %custom_jvp_call3A = arith.constant 0.000000e+00 : f32
    %max3A = vector.broadcast %custom_jvp_call3A : f32 to vector<2560x8xf32>
    %max3A_26 = arith.maximumf %add3A_20, %max3A : vector<2560x8xf32>
    %sub3A = vector.broadcast %custom_jvp_call3A : f32 to vector<2560x8xf32>
    %sub3A_27 = arith.subf %add3A_20, %sub3A : vector<2560x8xf32>
    %ne3A = arith.cmpf one, %sub3A_27, %sub3A_27 : vector<2560x8xf32>
    %add3A_28 = vector.broadcast %custom_jvp_call3A : f32 to vector<2560x8xf32>
    %add3A_29 = arith.addf %add3A_20, %add3A_28 : vector<2560x8xf32>
    %abs3A = math.absf %sub3A_27 : vector<2560x8xf32>
    %neg3A = arith.constant 0.000000e+00 : f32
    %neg3A_30 = vector.broadcast %neg3A : f32 to vector<2560x8xf32>
    %neg3A_31 = arith.subf %neg3A_30, %abs3A : vector<2560x8xf32>
    %exp3A = math.exp %neg3A_31 : vector<2560x8xf32>
    %log1p3A = math.log1p %exp3A : vector<2560x8xf32>
    %add3A_32 = arith.addf %max3A_26, %log1p3A : vector<2560x8xf32>
    %select_n3A = arith.select %ne3A, %add3A_29, %add3A_32 : vector<2560x8xi1>, vector<2560x8xf32>
    %mul3A = arith.mulf %reshape3A_25, %select_n3A : vector<2560x8xf32>
    %add3A_33 = arith.addf %add3A_10, %mul3A : vector<2560x8xf32>
    %iota3A = tpu.iota {dimensions = array<i32: 1>} : vector<2560x8xi32>
    %reduce_max3A = arith.constant dense<0xFF800000> : vector<2560xf32>
    %reduce_max3A_34 = vector.multi_reduction <maximumf>, %add3A_33, %reduce_max3A [1] : vector<2560x8xf32> to vector<2560xf32>
    %broadcast_in_dim3A = vector.shape_cast %reduce_max3A_34 : vector<2560xf32> to vector<2560x1xf32>
    %eq3A = vector.broadcast %broadcast_in_dim3A : vector<2560x1xf32> to vector<2560x8xf32>
    %eq3A_35 = arith.cmpf oeq, %add3A_33, %eq3A : vector<2560x8xf32>
    %jit3A = arith.constant 8 : i32
    %broadcast_in_dim3A_36 = vector.broadcast %jit3A : i32 to vector<2560x8xi32>
    %select_n3A_37 = arith.select %eq3A_35, %iota3A, %broadcast_in_dim3A_36 : vector<2560x8xi1>, vector<2560x8xi32>
    %reduce_min3A = arith.constant dense<2147483647> : vector<2560xi32>
    %reduce_min3A_38 = vector.multi_reduction <minsi>, %select_n3A_37, %reduce_min3A [1] : vector<2560x8xi32> to vector<2560xi32>
    %broadcast_in_dim3A_39 = vector.shape_cast %reduce_min3A_38 : vector<2560xi32> to vector<2560x1xi32>
    %eq3A_40 = vector.broadcast %broadcast_in_dim3A_39 : vector<2560x1xi32> to vector<2560x8xi32>
    %eq3A_41 = arith.cmpi eq, %iota3A, %eq3A_40 : vector<2560x8xi32>
    %jit3A_42 = arith.constant 0xFF800000 : f32
    %broadcast_in_dim3A_43 = vector.broadcast %jit3A_42 : f32 to vector<2560x8xf32>
    %select_n3A_44 = arith.select %eq3A_41, %broadcast_in_dim3A_43, %add3A_33 : vector<2560x8xi1>, vector<2560x8xf32>
    %reduce_max3A_45 = arith.constant dense<0xFF800000> : vector<2560xf32>
    %reduce_max3A_46 = vector.multi_reduction <maximumf>, %select_n3A_44, %reduce_max3A_45 [1] : vector<2560x8xf32> to vector<2560xf32>
    %broadcast_in_dim3A_47 = vector.shape_cast %reduce_max3A_46 : vector<2560xf32> to vector<2560x1xf32>
    %eq3A_48 = vector.broadcast %broadcast_in_dim3A_47 : vector<2560x1xf32> to vector<2560x8xf32>
    %eq3A_49 = arith.cmpf oeq, %select_n3A_44, %eq3A_48 : vector<2560x8xf32>
    %jit3A_50 = arith.constant 8 : i32
    %broadcast_in_dim3A_51 = vector.broadcast %jit3A_50 : i32 to vector<2560x8xi32>
    %select_n3A_52 = arith.select %eq3A_49, %iota3A, %broadcast_in_dim3A_51 : vector<2560x8xi1>, vector<2560x8xi32>
    %reduce_min3A_53 = arith.constant dense<2147483647> : vector<2560xi32>
    %reduce_min3A_54 = vector.multi_reduction <minsi>, %select_n3A_52, %reduce_min3A_53 [1] : vector<2560x8xi32> to vector<2560xi32>
    %broadcast_in_dim3A_55 = vector.shape_cast %reduce_min3A_54 : vector<2560xi32> to vector<2560x1xi32>
    %sub3A_56 = arith.subf %broadcast_in_dim3A, %broadcast_in_dim3A_47 : vector<2560x1xf32>
    %logistic3A = arith.negf %sub3A_56 : vector<2560x1xf32>
    %logistic3A_57 = math.exp %logistic3A : vector<2560x1xf32>
    %logistic3A_58 = arith.constant 1.000000e+00 : f32
    %logistic3A_59 = vector.broadcast %logistic3A_58 : f32 to vector<2560x1xf32>
    %logistic3A_60 = arith.addf %logistic3A_59, %logistic3A_57 : vector<2560x1xf32>
    %logistic3A_61 = arith.divf %logistic3A_59, %logistic3A_60 : vector<2560x1xf32>
    %eq3A_62 = vector.broadcast %broadcast_in_dim3A_39 : vector<2560x1xi32> to vector<2560x8xi32>
    %eq3A_63 = arith.cmpi eq, %iota3A, %eq3A_62 : vector<2560x8xi32>
    %jit3A_64 = arith.constant 0.000000e+00 : f32
    %broadcast_in_dim3A_65 = vector.shape_cast %logistic3A_61 : vector<2560x1xf32> to vector<2560x1xf32>
    %broadcast_in_dim3A_66 = vector.broadcast %broadcast_in_dim3A_65 : vector<2560x1xf32> to vector<2560x8xf32>
    %broadcast_in_dim3A_67 = vector.broadcast %jit3A_64 : f32 to vector<2560x8xf32>
    %select_n3A_68 = arith.select %eq3A_63, %broadcast_in_dim3A_66, %broadcast_in_dim3A_67 : vector<2560x8xi1>, vector<2560x8xf32>
    %eq3A_69 = vector.broadcast %broadcast_in_dim3A_55 : vector<2560x1xi32> to vector<2560x8xi32>
    %eq3A_70 = arith.cmpi eq, %iota3A, %eq3A_69 : vector<2560x8xi32>
    %sub3A_71 = arith.constant 1.000000e+00 : f32
    %sub3A_72 = vector.broadcast %sub3A_71 : f32 to vector<2560x1xf32>
    %sub3A_73 = arith.subf %sub3A_72, %logistic3A_61 : vector<2560x1xf32>
    %jit3A_74 = arith.constant 0.000000e+00 : f32
    %broadcast_in_dim3A_75 = vector.shape_cast %sub3A_73 : vector<2560x1xf32> to vector<2560x1xf32>
    %broadcast_in_dim3A_76 = vector.broadcast %broadcast_in_dim3A_75 : vector<2560x1xf32> to vector<2560x8xf32>
    %broadcast_in_dim3A_77 = vector.broadcast %jit3A_74 : f32 to vector<2560x8xf32>
    %select_n3A_78 = arith.select %eq3A_70, %broadcast_in_dim3A_76, %broadcast_in_dim3A_77 : vector<2560x8xi1>, vector<2560x8xf32>
    %add3A_79 = arith.addf %select_n3A_68, %select_n3A_78 : vector<2560x8xf32>
    %get3A_80 = arith.constant 0 : index
    %get3A_81 = arith.constant 0 : index
    %get3A_82 = vector.load %arg9[%get3A_80, %get3A_81] : memref<8x512xf32, #tpu.memory_space<vmem>>, vector<8x512xf32>
    %get3A_83 = arith.constant 0 : index
    %get3A_84 = arith.constant 0 : index
    %get3A_85 = vector.load %arg11[%get3A_83, %get3A_84] : memref<8x128xf32, #tpu.memory_space<vmem>>, vector<8x128xf32>
    %broadcast_in_dim3A_86 = arith.constant 0.000000e+00 : f32
    %broadcast_in_dim3A_87 = vector.broadcast %broadcast_in_dim3A_86 : f32 to vector<2560x128xf32>
    %get3A_88 = arith.constant 0 : index
    %get3A_89 = arith.constant 0 : index
    %get3A_90 = arith.constant 0 : index
    %get3A_91 = vector.load %arg8[%get3A_88, %get3A_89, %get3A_90] : memref<8x128x512xf32, #tpu.memory_space<vmem>>, vector<1x128x512xf32>
    %get3A_92 = vector.shape_cast %get3A_91 : vector<1x128x512xf32> to vector<128x512xf32>
    %dot_general3A_93 = arith.constant dense<0.000000e+00> : vector<2560x512xf32>
    %dot_general3A_94 = tpu.matmul %reshape3A, %get3A_92, %dot_general3A_93 {dimension_numbers = #tpu.dot_dimension_numbers<[1], [0], [0], [1], [0, 0, 1, 1], [], []>, transpose_lhs_hint = false} : vector<2560x128xf32>, vector<128x512xf32>, vector<2560x512xf32> -> vector<2560x512xf32>
    %slice3A = vector.extract_strided_slice %get3A_82 {offsets = [0, 0], sizes = [1, 512], strides = [1, 1]} : vector<8x512xf32> to vector<1x512xf32>
    %add3A_95 = vector.broadcast %slice3A : vector<1x512xf32> to vector<2560x512xf32>
    %add3A_96 = arith.addf %dot_general3A_94, %add3A_95 : vector<2560x512xf32>
    %max3A_97 = arith.constant 0.000000e+00 : f32
    %max3A_98 = vector.broadcast %max3A_97 : f32 to vector<2560x512xf32>
    %max3A_99 = arith.maximumf %add3A_96, %max3A_98 : vector<2560x512xf32>
    %get3A_100 = arith.constant 0 : index
    %get3A_101 = arith.constant 0 : index
    %get3A_102 = arith.constant 0 : index
    %get3A_103 = vector.load %arg10[%get3A_100, %get3A_101, %get3A_102] : memref<8x512x128xf32, #tpu.memory_space<vmem>>, vector<1x512x128xf32>
    %get3A_104 = vector.shape_cast %get3A_103 : vector<1x512x128xf32> to vector<512x128xf32>
    %dot_general3A_105 = arith.constant dense<0.000000e+00> : vector<2560x128xf32>
    %dot_general3A_106 = tpu.matmul %max3A_99, %get3A_104, %dot_general3A_105 {dimension_numbers = #tpu.dot_dimension_numbers<[1], [0], [0], [1], [0, 0, 1, 1], [], []>, transpose_lhs_hint = false} : vector<2560x512xf32>, vector<512x128xf32>, vector<2560x128xf32> -> vector<2560x128xf32>
    %slice3A_107 = vector.extract_strided_slice %get3A_85 {offsets = [0, 0], sizes = [1, 128], strides = [1, 1]} : vector<8x128xf32> to vector<1x128xf32>
    %add3A_108 = vector.broadcast %slice3A_107 : vector<1x128xf32> to vector<2560x128xf32>
    %add3A_109 = arith.addf %dot_general3A_106, %add3A_108 : vector<2560x128xf32>
    %slice3A_110 = vector.extract_strided_slice %add3A_79 {offsets = [0, 0], sizes = [2560, 1], strides = [1, 1]} : vector<2560x8xf32> to vector<2560x1xf32>
    %mul3A_111 = vector.broadcast %slice3A_110 : vector<2560x1xf32> to vector<2560x128xf32>
    %mul3A_112 = arith.mulf %mul3A_111, %add3A_109 : vector<2560x128xf32>
    %add3A_113 = arith.addf %broadcast_in_dim3A_87, %mul3A_112 : vector<2560x128xf32>
    %get3A_114 = arith.constant 1 : index
    %get3A_115 = arith.constant 0 : index
    %get3A_116 = arith.constant 0 : index
    %get3A_117 = vector.load %arg8[%get3A_114, %get3A_115, %get3A_116] : memref<8x128x512xf32, #tpu.memory_space<vmem>>, vector<1x128x512xf32>
    %get3A_118 = vector.shape_cast %get3A_117 : vector<1x128x512xf32> to vector<128x512xf32>
    %dot_general3A_119 = arith.constant dense<0.000000e+00> : vector<2560x512xf32>
    %dot_general3A_120 = tpu.matmul %reshape3A, %get3A_118, %dot_general3A_119 {dimension_numbers = #tpu.dot_dimension_numbers<[1], [0], [0], [1], [0, 0, 1, 1], [], []>, transpose_lhs_hint = false} : vector<2560x128xf32>, vector<128x512xf32>, vector<2560x512xf32> -> vector<2560x512xf32>
    %slice3A_121 = vector.extract_strided_slice %get3A_82 {offsets = [1, 0], sizes = [1, 512], strides = [1, 1]} : vector<8x512xf32> to vector<1x512xf32>
    %add3A_122 = vector.broadcast %slice3A_121 : vector<1x512xf32> to vector<2560x512xf32>
    %add3A_123 = arith.addf %dot_general3A_120, %add3A_122 : vector<2560x512xf32>
    %max3A_124 = arith.constant 0.000000e+00 : f32
    %max3A_125 = vector.broadcast %max3A_124 : f32 to vector<2560x512xf32>
    %max3A_126 = arith.maximumf %add3A_123, %max3A_125 : vector<2560x512xf32>
    %get3A_127 = arith.constant 1 : index
    %get3A_128 = arith.constant 0 : index
    %get3A_129 = arith.constant 0 : index
    %get3A_130 = vector.load %arg10[%get3A_127, %get3A_128, %get3A_129] : memref<8x512x128xf32, #tpu.memory_space<vmem>>, vector<1x512x128xf32>
    %get3A_131 = vector.shape_cast %get3A_130 : vector<1x512x128xf32> to vector<512x128xf32>
    %dot_general3A_132 = arith.constant dense<0.000000e+00> : vector<2560x128xf32>
    %dot_general3A_133 = tpu.matmul %max3A_126, %get3A_131, %dot_general3A_132 {dimension_numbers = #tpu.dot_dimension_numbers<[1], [0], [0], [1], [0, 0, 1, 1], [], []>, transpose_lhs_hint = false} : vector<2560x512xf32>, vector<512x128xf32>, vector<2560x128xf32> -> vector<2560x128xf32>
    %slice3A_134 = vector.extract_strided_slice %get3A_85 {offsets = [1, 0], sizes = [1, 128], strides = [1, 1]} : vector<8x128xf32> to vector<1x128xf32>
    %add3A_135 = vector.broadcast %slice3A_134 : vector<1x128xf32> to vector<2560x128xf32>
    %add3A_136 = arith.addf %dot_general3A_133, %add3A_135 : vector<2560x128xf32>
    %slice3A_137 = vector.extract_strided_slice %add3A_79 {offsets = [0, 1], sizes = [2560, 1], strides = [1, 1]} : vector<2560x8xf32> to vector<2560x1xf32>
    %mul3A_138 = vector.broadcast %slice3A_137 : vector<2560x1xf32> to vector<2560x128xf32>
    %mul3A_139 = arith.mulf %mul3A_138, %add3A_136 : vector<2560x128xf32>
    %add3A_140 = arith.addf %add3A_113, %mul3A_139 : vector<2560x128xf32>
    %get3A_141 = arith.constant 2 : index
    %get3A_142 = arith.constant 0 : index
    %get3A_143 = arith.constant 0 : index
    %get3A_144 = vector.load %arg8[%get3A_141, %get3A_142, %get3A_143] : memref<8x128x512xf32, #tpu.memory_space<vmem>>, vector<1x128x512xf32>
    %get3A_145 = vector.shape_cast %get3A_144 : vector<1x128x512xf32> to vector<128x512xf32>
    %dot_general3A_146 = arith.constant dense<0.000000e+00> : vector<2560x512xf32>
    %dot_general3A_147 = tpu.matmul %reshape3A, %get3A_145, %dot_general3A_146 {dimension_numbers = #tpu.dot_dimension_numbers<[1], [0], [0], [1], [0, 0, 1, 1], [], []>, transpose_lhs_hint = false} : vector<2560x128xf32>, vector<128x512xf32>, vector<2560x512xf32> -> vector<2560x512xf32>
    %slice3A_148 = vector.extract_strided_slice %get3A_82 {offsets = [2, 0], sizes = [1, 512], strides = [1, 1]} : vector<8x512xf32> to vector<1x512xf32>
    %add3A_149 = vector.broadcast %slice3A_148 : vector<1x512xf32> to vector<2560x512xf32>
    %add3A_150 = arith.addf %dot_general3A_147, %add3A_149 : vector<2560x512xf32>
    %max3A_151 = arith.constant 0.000000e+00 : f32
    %max3A_152 = vector.broadcast %max3A_151 : f32 to vector<2560x512xf32>
    %max3A_153 = arith.maximumf %add3A_150, %max3A_152 : vector<2560x512xf32>
    %get3A_154 = arith.constant 2 : index
    %get3A_155 = arith.constant 0 : index
    %get3A_156 = arith.constant 0 : index
    %get3A_157 = vector.load %arg10[%get3A_154, %get3A_155, %get3A_156] : memref<8x512x128xf32, #tpu.memory_space<vmem>>, vector<1x512x128xf32>
    %get3A_158 = vector.shape_cast %get3A_157 : vector<1x512x128xf32> to vector<512x128xf32>
    %dot_general3A_159 = arith.constant dense<0.000000e+00> : vector<2560x128xf32>
    %dot_general3A_160 = tpu.matmul %max3A_153, %get3A_158, %dot_general3A_159 {dimension_numbers = #tpu.dot_dimension_numbers<[1], [0], [0], [1], [0, 0, 1, 1], [], []>, transpose_lhs_hint = false} : vector<2560x512xf32>, vector<512x128xf32>, vector<2560x128xf32> -> vector<2560x128xf32>
    %slice3A_161 = vector.extract_strided_slice %get3A_85 {offsets = [2, 0], sizes = [1, 128], strides = [1, 1]} : vector<8x128xf32> to vector<1x128xf32>
    %add3A_162 = vector.broadcast %slice3A_161 : vector<1x128xf32> to vector<2560x128xf32>
    %add3A_163 = arith.addf %dot_general3A_160, %add3A_162 : vector<2560x128xf32>
    %slice3A_164 = vector.extract_strided_slice %add3A_79 {offsets = [0, 2], sizes = [2560, 1], strides = [1, 1]} : vector<2560x8xf32> to vector<2560x1xf32>
    %mul3A_165 = vector.broadcast %slice3A_164 : vector<2560x1xf32> to vector<2560x128xf32>
    %mul3A_166 = arith.mulf %mul3A_165, %add3A_163 : vector<2560x128xf32>
    %add3A_167 = arith.addf %add3A_140, %mul3A_166 : vector<2560x128xf32>
    %get3A_168 = arith.constant 3 : index
    %get3A_169 = arith.constant 0 : index
    %get3A_170 = arith.constant 0 : index
    %get3A_171 = vector.load %arg8[%get3A_168, %get3A_169, %get3A_170] : memref<8x128x512xf32, #tpu.memory_space<vmem>>, vector<1x128x512xf32>
    %get3A_172 = vector.shape_cast %get3A_171 : vector<1x128x512xf32> to vector<128x512xf32>
    %dot_general3A_173 = arith.constant dense<0.000000e+00> : vector<2560x512xf32>
    %dot_general3A_174 = tpu.matmul %reshape3A, %get3A_172, %dot_general3A_173 {dimension_numbers = #tpu.dot_dimension_numbers<[1], [0], [0], [1], [0, 0, 1, 1], [], []>, transpose_lhs_hint = false} : vector<2560x128xf32>, vector<128x512xf32>, vector<2560x512xf32> -> vector<2560x512xf32>
    %slice3A_175 = vector.extract_strided_slice %get3A_82 {offsets = [3, 0], sizes = [1, 512], strides = [1, 1]} : vector<8x512xf32> to vector<1x512xf32>
    %add3A_176 = vector.broadcast %slice3A_175 : vector<1x512xf32> to vector<2560x512xf32>
    %add3A_177 = arith.addf %dot_general3A_174, %add3A_176 : vector<2560x512xf32>
    %max3A_178 = arith.constant 0.000000e+00 : f32
    %max3A_179 = vector.broadcast %max3A_178 : f32 to vector<2560x512xf32>
    %max3A_180 = arith.maximumf %add3A_177, %max3A_179 : vector<2560x512xf32>
    %get3A_181 = arith.constant 3 : index
    %get3A_182 = arith.constant 0 : index
    %get3A_183 = arith.constant 0 : index
    %get3A_184 = vector.load %arg10[%get3A_181, %get3A_182, %get3A_183] : memref<8x512x128xf32, #tpu.memory_space<vmem>>, vector<1x512x128xf32>
    %get3A_185 = vector.shape_cast %get3A_184 : vector<1x512x128xf32> to vector<512x128xf32>
    %dot_general3A_186 = arith.constant dense<0.000000e+00> : vector<2560x128xf32>
    %dot_general3A_187 = tpu.matmul %max3A_180, %get3A_185, %dot_general3A_186 {dimension_numbers = #tpu.dot_dimension_numbers<[1], [0], [0], [1], [0, 0, 1, 1], [], []>, transpose_lhs_hint = false} : vector<2560x512xf32>, vector<512x128xf32>, vector<2560x128xf32> -> vector<2560x128xf32>
    %slice3A_188 = vector.extract_strided_slice %get3A_85 {offsets = [3, 0], sizes = [1, 128], strides = [1, 1]} : vector<8x128xf32> to vector<1x128xf32>
    %add3A_189 = vector.broadcast %slice3A_188 : vector<1x128xf32> to vector<2560x128xf32>
    %add3A_190 = arith.addf %dot_general3A_187, %add3A_189 : vector<2560x128xf32>
    %slice3A_191 = vector.extract_strided_slice %add3A_79 {offsets = [0, 3], sizes = [2560, 1], strides = [1, 1]} : vector<2560x8xf32> to vector<2560x1xf32>
    %mul3A_192 = vector.broadcast %slice3A_191 : vector<2560x1xf32> to vector<2560x128xf32>
    %mul3A_193 = arith.mulf %mul3A_192, %add3A_190 : vector<2560x128xf32>
    %add3A_194 = arith.addf %add3A_167, %mul3A_193 : vector<2560x128xf32>
    %get3A_195 = arith.constant 4 : index
    %get3A_196 = arith.constant 0 : index
    %get3A_197 = arith.constant 0 : index
    %get3A_198 = vector.load %arg8[%get3A_195, %get3A_196, %get3A_197] : memref<8x128x512xf32, #tpu.memory_space<vmem>>, vector<1x128x512xf32>
    %get3A_199 = vector.shape_cast %get3A_198 : vector<1x128x512xf32> to vector<128x512xf32>
    %dot_general3A_200 = arith.constant dense<0.000000e+00> : vector<2560x512xf32>
    %dot_general3A_201 = tpu.matmul %reshape3A, %get3A_199, %dot_general3A_200 {dimension_numbers = #tpu.dot_dimension_numbers<[1], [0], [0], [1], [0, 0, 1, 1], [], []>, transpose_lhs_hint = false} : vector<2560x128xf32>, vector<128x512xf32>, vector<2560x512xf32> -> vector<2560x512xf32>
    %slice3A_202 = vector.extract_strided_slice %get3A_82 {offsets = [4, 0], sizes = [1, 512], strides = [1, 1]} : vector<8x512xf32> to vector<1x512xf32>
    %add3A_203 = vector.broadcast %slice3A_202 : vector<1x512xf32> to vector<2560x512xf32>
    %add3A_204 = arith.addf %dot_general3A_201, %add3A_203 : vector<2560x512xf32>
    %max3A_205 = arith.constant 0.000000e+00 : f32
    %max3A_206 = vector.broadcast %max3A_205 : f32 to vector<2560x512xf32>
    %max3A_207 = arith.maximumf %add3A_204, %max3A_206 : vector<2560x512xf32>
    %get3A_208 = arith.constant 4 : index
    %get3A_209 = arith.constant 0 : index
    %get3A_210 = arith.constant 0 : index
    %get3A_211 = vector.load %arg10[%get3A_208, %get3A_209, %get3A_210] : memref<8x512x128xf32, #tpu.memory_space<vmem>>, vector<1x512x128xf32>
    %get3A_212 = vector.shape_cast %get3A_211 : vector<1x512x128xf32> to vector<512x128xf32>
    %dot_general3A_213 = arith.constant dense<0.000000e+00> : vector<2560x128xf32>
    %dot_general3A_214 = tpu.matmul %max3A_207, %get3A_212, %dot_general3A_213 {dimension_numbers = #tpu.dot_dimension_numbers<[1], [0], [0], [1], [0, 0, 1, 1], [], []>, transpose_lhs_hint = false} : vector<2560x512xf32>, vector<512x128xf32>, vector<2560x128xf32> -> vector<2560x128xf32>
    %slice3A_215 = vector.extract_strided_slice %get3A_85 {offsets = [4, 0], sizes = [1, 128], strides = [1, 1]} : vector<8x128xf32> to vector<1x128xf32>
    %add3A_216 = vector.broadcast %slice3A_215 : vector<1x128xf32> to vector<2560x128xf32>
    %add3A_217 = arith.addf %dot_general3A_214, %add3A_216 : vector<2560x128xf32>
    %slice3A_218 = vector.extract_strided_slice %add3A_79 {offsets = [0, 4], sizes = [2560, 1], strides = [1, 1]} : vector<2560x8xf32> to vector<2560x1xf32>
    %mul3A_219 = vector.broadcast %slice3A_218 : vector<2560x1xf32> to vector<2560x128xf32>
    %mul3A_220 = arith.mulf %mul3A_219, %add3A_217 : vector<2560x128xf32>
    %add3A_221 = arith.addf %add3A_194, %mul3A_220 : vector<2560x128xf32>
    %get3A_222 = arith.constant 5 : index
    %get3A_223 = arith.constant 0 : index
    %get3A_224 = arith.constant 0 : index
    %get3A_225 = vector.load %arg8[%get3A_222, %get3A_223, %get3A_224] : memref<8x128x512xf32, #tpu.memory_space<vmem>>, vector<1x128x512xf32>
    %get3A_226 = vector.shape_cast %get3A_225 : vector<1x128x512xf32> to vector<128x512xf32>
    %dot_general3A_227 = arith.constant dense<0.000000e+00> : vector<2560x512xf32>
    %dot_general3A_228 = tpu.matmul %reshape3A, %get3A_226, %dot_general3A_227 {dimension_numbers = #tpu.dot_dimension_numbers<[1], [0], [0], [1], [0, 0, 1, 1], [], []>, transpose_lhs_hint = false} : vector<2560x128xf32>, vector<128x512xf32>, vector<2560x512xf32> -> vector<2560x512xf32>
    %slice3A_229 = vector.extract_strided_slice %get3A_82 {offsets = [5, 0], sizes = [1, 512], strides = [1, 1]} : vector<8x512xf32> to vector<1x512xf32>
    %add3A_230 = vector.broadcast %slice3A_229 : vector<1x512xf32> to vector<2560x512xf32>
    %add3A_231 = arith.addf %dot_general3A_228, %add3A_230 : vector<2560x512xf32>
    %max3A_232 = arith.constant 0.000000e+00 : f32
    %max3A_233 = vector.broadcast %max3A_232 : f32 to vector<2560x512xf32>
    %max3A_234 = arith.maximumf %add3A_231, %max3A_233 : vector<2560x512xf32>
    %get3A_235 = arith.constant 5 : index
    %get3A_236 = arith.constant 0 : index
    %get3A_237 = arith.constant 0 : index
    %get3A_238 = vector.load %arg10[%get3A_235, %get3A_236, %get3A_237] : memref<8x512x128xf32, #tpu.memory_space<vmem>>, vector<1x512x128xf32>
    %get3A_239 = vector.shape_cast %get3A_238 : vector<1x512x128xf32> to vector<512x128xf32>
    %dot_general3A_240 = arith.constant dense<0.000000e+00> : vector<2560x128xf32>
    %dot_general3A_241 = tpu.matmul %max3A_234, %get3A_239, %dot_general3A_240 {dimension_numbers = #tpu.dot_dimension_numbers<[1], [0], [0], [1], [0, 0, 1, 1], [], []>, transpose_lhs_hint = false} : vector<2560x512xf32>, vector<512x128xf32>, vector<2560x128xf32> -> vector<2560x128xf32>
    %slice3A_242 = vector.extract_strided_slice %get3A_85 {offsets = [5, 0], sizes = [1, 128], strides = [1, 1]} : vector<8x128xf32> to vector<1x128xf32>
    %add3A_243 = vector.broadcast %slice3A_242 : vector<1x128xf32> to vector<2560x128xf32>
    %add3A_244 = arith.addf %dot_general3A_241, %add3A_243 : vector<2560x128xf32>
    %slice3A_245 = vector.extract_strided_slice %add3A_79 {offsets = [0, 5], sizes = [2560, 1], strides = [1, 1]} : vector<2560x8xf32> to vector<2560x1xf32>
    %mul3A_246 = vector.broadcast %slice3A_245 : vector<2560x1xf32> to vector<2560x128xf32>
    %mul3A_247 = arith.mulf %mul3A_246, %add3A_244 : vector<2560x128xf32>
    %add3A_248 = arith.addf %add3A_221, %mul3A_247 : vector<2560x128xf32>
    %get3A_249 = arith.constant 6 : index
    %get3A_250 = arith.constant 0 : index
    %get3A_251 = arith.constant 0 : index
    %get3A_252 = vector.load %arg8[%get3A_249, %get3A_250, %get3A_251] : memref<8x128x512xf32, #tpu.memory_space<vmem>>, vector<1x128x512xf32>
    %get3A_253 = vector.shape_cast %get3A_252 : vector<1x128x512xf32> to vector<128x512xf32>
    %dot_general3A_254 = arith.constant dense<0.000000e+00> : vector<2560x512xf32>
    %dot_general3A_255 = tpu.matmul %reshape3A, %get3A_253, %dot_general3A_254 {dimension_numbers = #tpu.dot_dimension_numbers<[1], [0], [0], [1], [0, 0, 1, 1], [], []>, transpose_lhs_hint = false} : vector<2560x128xf32>, vector<128x512xf32>, vector<2560x512xf32> -> vector<2560x512xf32>
    %slice3A_256 = vector.extract_strided_slice %get3A_82 {offsets = [6, 0], sizes = [1, 512], strides = [1, 1]} : vector<8x512xf32> to vector<1x512xf32>
    %add3A_257 = vector.broadcast %slice3A_256 : vector<1x512xf32> to vector<2560x512xf32>
    %add3A_258 = arith.addf %dot_general3A_255, %add3A_257 : vector<2560x512xf32>
    %max3A_259 = arith.constant 0.000000e+00 : f32
    %max3A_260 = vector.broadcast %max3A_259 : f32 to vector<2560x512xf32>
    %max3A_261 = arith.maximumf %add3A_258, %max3A_260 : vector<2560x512xf32>
    %get3A_262 = arith.constant 6 : index
    %get3A_263 = arith.constant 0 : index
    %get3A_264 = arith.constant 0 : index
    %get3A_265 = vector.load %arg10[%get3A_262, %get3A_263, %get3A_264] : memref<8x512x128xf32, #tpu.memory_space<vmem>>, vector<1x512x128xf32>
    %get3A_266 = vector.shape_cast %get3A_265 : vector<1x512x128xf32> to vector<512x128xf32>
    %dot_general3A_267 = arith.constant dense<0.000000e+00> : vector<2560x128xf32>
    %dot_general3A_268 = tpu.matmul %max3A_261, %get3A_266, %dot_general3A_267 {dimension_numbers = #tpu.dot_dimension_numbers<[1], [0], [0], [1], [0, 0, 1, 1], [], []>, transpose_lhs_hint = false} : vector<2560x512xf32>, vector<512x128xf32>, vector<2560x128xf32> -> vector<2560x128xf32>
    %slice3A_269 = vector.extract_strided_slice %get3A_85 {offsets = [6, 0], sizes = [1, 128], strides = [1, 1]} : vector<8x128xf32> to vector<1x128xf32>
    %add3A_270 = vector.broadcast %slice3A_269 : vector<1x128xf32> to vector<2560x128xf32>
    %add3A_271 = arith.addf %dot_general3A_268, %add3A_270 : vector<2560x128xf32>
    %slice3A_272 = vector.extract_strided_slice %add3A_79 {offsets = [0, 6], sizes = [2560, 1], strides = [1, 1]} : vector<2560x8xf32> to vector<2560x1xf32>
    %mul3A_273 = vector.broadcast %slice3A_272 : vector<2560x1xf32> to vector<2560x128xf32>
    %mul3A_274 = arith.mulf %mul3A_273, %add3A_271 : vector<2560x128xf32>
    %add3A_275 = arith.addf %add3A_248, %mul3A_274 : vector<2560x128xf32>
    %get3A_276 = arith.constant 7 : index
    %get3A_277 = arith.constant 0 : index
    %get3A_278 = arith.constant 0 : index
    %get3A_279 = vector.load %arg8[%get3A_276, %get3A_277, %get3A_278] : memref<8x128x512xf32, #tpu.memory_space<vmem>>, vector<1x128x512xf32>
    %get3A_280 = vector.shape_cast %get3A_279 : vector<1x128x512xf32> to vector<128x512xf32>
    %dot_general3A_281 = arith.constant dense<0.000000e+00> : vector<2560x512xf32>
    %dot_general3A_282 = tpu.matmul %reshape3A, %get3A_280, %dot_general3A_281 {dimension_numbers = #tpu.dot_dimension_numbers<[1], [0], [0], [1], [0, 0, 1, 1], [], []>, transpose_lhs_hint = false} : vector<2560x128xf32>, vector<128x512xf32>, vector<2560x512xf32> -> vector<2560x512xf32>
    %slice3A_283 = vector.extract_strided_slice %get3A_82 {offsets = [7, 0], sizes = [1, 512], strides = [1, 1]} : vector<8x512xf32> to vector<1x512xf32>
    %add3A_284 = vector.broadcast %slice3A_283 : vector<1x512xf32> to vector<2560x512xf32>
    %add3A_285 = arith.addf %dot_general3A_282, %add3A_284 : vector<2560x512xf32>
    %max3A_286 = arith.constant 0.000000e+00 : f32
    %max3A_287 = vector.broadcast %max3A_286 : f32 to vector<2560x512xf32>
    %max3A_288 = arith.maximumf %add3A_285, %max3A_287 : vector<2560x512xf32>
    %get3A_289 = arith.constant 7 : index
    %get3A_290 = arith.constant 0 : index
    %get3A_291 = arith.constant 0 : index
    %get3A_292 = vector.load %arg10[%get3A_289, %get3A_290, %get3A_291] : memref<8x512x128xf32, #tpu.memory_space<vmem>>, vector<1x512x128xf32>
    %get3A_293 = vector.shape_cast %get3A_292 : vector<1x512x128xf32> to vector<512x128xf32>
    %dot_general3A_294 = arith.constant dense<0.000000e+00> : vector<2560x128xf32>
    %dot_general3A_295 = tpu.matmul %max3A_288, %get3A_293, %dot_general3A_294 {dimension_numbers = #tpu.dot_dimension_numbers<[1], [0], [0], [1], [0, 0, 1, 1], [], []>, transpose_lhs_hint = false} : vector<2560x512xf32>, vector<512x128xf32>, vector<2560x128xf32> -> vector<2560x128xf32>
    %slice3A_296 = vector.extract_strided_slice %get3A_85 {offsets = [7, 0], sizes = [1, 128], strides = [1, 1]} : vector<8x128xf32> to vector<1x128xf32>
    %add3A_297 = vector.broadcast %slice3A_296 : vector<1x128xf32> to vector<2560x128xf32>
    %add3A_298 = arith.addf %dot_general3A_295, %add3A_297 : vector<2560x128xf32>
    %slice3A_299 = vector.extract_strided_slice %add3A_79 {offsets = [0, 7], sizes = [2560, 1], strides = [1, 1]} : vector<2560x8xf32> to vector<2560x1xf32>
    %mul3A_300 = vector.broadcast %slice3A_299 : vector<2560x1xf32> to vector<2560x128xf32>
    %mul3A_301 = arith.mulf %mul3A_300, %add3A_298 : vector<2560x128xf32>
    %add3A_302 = arith.addf %add3A_275, %mul3A_301 : vector<2560x128xf32>
    %iota3A_303 = tpu.iota {dimensions = array<i32: 0>} : vector<20x128xi32>
    %get3A_304 = arith.constant 0 : index
    %get3A_305 = arith.constant 0 : index
    %get3A_306 = vector.load %arg3[%get3A_304, %get3A_305] : memref<20x128xi32, #tpu.memory_space<vmem>>, vector<20x128xi32>
    %lt3A = arith.cmpi slt, %iota3A_303, %get3A_306 : vector<20x128xi32>
    %convert_element_type3A = arith.extui %lt3A : vector<20x128xi1> to vector<20x128xi32>
    %convert_element_type3A_307 = arith.sitofp %convert_element_type3A : vector<20x128xi32> to vector<20x128xf32>
    %reshape3A_308 = vector.shape_cast %add3A_302 : vector<2560x128xf32> to vector<20x128x128xf32>
    %broadcast_in_dim3A_309 = vector.shape_cast %convert_element_type3A_307 : vector<20x128xf32> to vector<20x128x1xf32>
    %mul3A_310 = vector.broadcast %broadcast_in_dim3A_309 : vector<20x128x1xf32> to vector<20x128x128xf32>
    %mul3A_311 = arith.mulf %reshape3A_308, %mul3A_310 : vector<20x128x128xf32>
    %reduce_sum3A = arith.constant dense<0.000000e+00> : vector<128x128xf32>
    %reduce_sum3A_312 = vector.multi_reduction <add>, %mul3A_311, %reduce_sum3A [0] : vector<20x128x128xf32> to vector<128x128xf32>
    %swap3A = arith.constant 0 : index
    %swap3A_313 = arith.constant 0 : index
    %swap3A_314 = vector.load %arg12[%swap3A, %swap3A_313] : memref<128x128xf32, #tpu.memory_space<vmem>>, vector<128x128xf32>
    tpu.vector_store %arg12[%swap3A, %swap3A_313], %reduce_sum3A_312 {strides = array<i32>} : memref<128x128xf32, #tpu.memory_space<vmem>>, vector<128x128xf32>,
    return
  }
  func.func @transform_0(%arg0: i32) -> (i32, i32, i32) {
    %c0_i32 = arith.constant 0 : i32
    %c0_i32_0 = arith.constant 0 : i32
    %c0_i32_1 = arith.constant 0 : i32
    return %c0_i32, %arg0, %c0_i32_0 : i32, i32, i32
  }
  func.func @transform_1(%arg0: i32) -> (i32, i32, i32) {
    %c0_i32 = arith.constant 0 : i32
    %c0_i32_0 = arith.constant 0 : i32
    %c0_i32_1 = arith.constant 0 : i32
    return %c0_i32, %arg0, %c0_i32_0 : i32, i32, i32
  }
  func.func @transform_2(%arg0: i32) -> (i32, i32) {
    %c0_i32 = arith.constant 0 : i32
    %c0_i32_0 = arith.constant 0 : i32
    return %c0_i32, %arg0 : i32, i32
  }
  func.func @transform_3(%arg0: i32) -> (i32, i32) {
    %c0_i32 = arith.constant 0 : i32
    %c0_i32_0 = arith.constant 0 : i32
    %c0_i32_1 = arith.constant 0 : i32
    return %c0_i32, %c0_i32_0 : i32, i32
  }
  func.func @transform_4(%arg0: i32) -> (i32, i32) {
    %c0_i32 = arith.constant 0 : i32
    %c0_i32_0 = arith.constant 0 : i32
    %c0_i32_1 = arith.constant 0 : i32
    return %c0_i32, %c0_i32_0 : i32, i32
  }
  func.func @transform_5(%arg0: i32) -> (i32, i32) {
    %c0_i32 = arith.constant 0 : i32
    %c0_i32_0 = arith.constant 0 : i32
    %c0_i32_1 = arith.constant 0 : i32
    return %c0_i32, %c0_i32_0 : i32, i32
  }
  func.func @transform_6(%arg0: i32) -> (i32, i32) {
    %c0_i32 = arith.constant 0 : i32
    %c0_i32_0 = arith.constant 0 : i32
    %c0_i32_1 = arith.constant 0 : i32
    return %c0_i32, %c0_i32_0 : i32, i32
  }
  func.func @transform_7(%arg0: i32) -> (i32, i32, i32) {
    %c0_i32 = arith.constant 0 : i32
    %c0_i32_0 = arith.constant 0 : i32
    %c0_i32_1 = arith.constant 0 : i32
    %c0_i32_2 = arith.constant 0 : i32
    return %c0_i32, %c0_i32_0, %c0_i32_1 : i32, i32, i32
  }
  func.func @transform_8(%arg0: i32) -> (i32, i32) {
    %c0_i32 = arith.constant 0 : i32
    %c0_i32_0 = arith.constant 0 : i32
    %c0_i32_1 = arith.constant 0 : i32
    return %c0_i32, %c0_i32_0 : i32, i32
  }
  func.func @transform_9(%arg0: i32) -> (i32, i32, i32) {
    %c0_i32 = arith.constant 0 : i32
    %c0_i32_0 = arith.constant 0 : i32
    %c0_i32_1 = arith.constant 0 : i32
    %c0_i32_2 = arith.constant 0 : i32
    return %c0_i32, %c0_i32_0, %c0_i32_1 : i32, i32, i32
  }
  func.func @transform_10(%arg0: i32) -> (i32, i32) {
    %c0_i32 = arith.constant 0 : i32
    %c0_i32_0 = arith.constant 0 : i32
    %c0_i32_1 = arith.constant 0 : i32
    return %c0_i32, %c0_i32_0 : i32, i32
  }
  func.func @transform_11(%arg0: i32) -> (i32, i32) {
    %c0_i32 = arith.constant 0 : i32
    %c0_i32_0 = arith.constant 0 : i32
    return %arg0, %c0_i32 : i32, i32
  }
}

module attributes {stable_mosaic.version = 14 : i64} {
  func.func @_tc2_body(%arg0: memref<1024x41xf32, #tpu.memory_space<vmem>>, %arg1: memref<41x128xf32, #tpu.memory_space<vmem>>, %arg2: memref<1x128xf32, #tpu.memory_space<vmem>>, %arg3: memref<1x128xf32, #tpu.memory_space<vmem>>, %arg4: memref<1x128xf32, #tpu.memory_space<vmem>>, %arg5: memref<1024x128xf32, #tpu.memory_space<vmem>>, %arg6: memref<3x128x128xf32, #tpu.memory_space<vmem>>, %arg7: memref<3x128x128xf32, #tpu.memory_space<vmem>>, %arg8: memref<3x128x128xf32, #tpu.memory_space<vmem>>, %arg9: memref<3x128xf32, #tpu.memory_space<vmem>>, %arg10: memref<3x128xf32, #tpu.memory_space<vmem>>, %arg11: memref<3x128xf32, #tpu.memory_space<vmem>>, %arg12: memref<3x128x1xf32, #tpu.memory_space<vmem>>, %arg13: memref<3x1xf32, #tpu.memory_space<vmem>>, %arg14: memref<1024x1xf32, #tpu.memory_space<vmem>>, %arg15: memref<1024x1xf32, #tpu.memory_space<vmem>>, %arg16: memref<1024x1xf32, #tpu.memory_space<vmem>>) attributes {dimension_semantics = [], scalar_prefetch = 0 : i64, scratch_operands = 0 : i64, tpu.core_type = #tpu.core_type<tc>} {
    %get3A = arith.constant 0 : index
    %get3A_0 = arith.constant 0 : index
    %get3A_1 = vector.load %arg0[%get3A, %get3A_0] : memref<1024x41xf32, #tpu.memory_space<vmem>>, vector<1024x41xf32>
    %get3A_2 = arith.constant 0 : index
    %get3A_3 = arith.constant 0 : index
    %get3A_4 = vector.load %arg1[%get3A_2, %get3A_3] : memref<41x128xf32, #tpu.memory_space<vmem>>, vector<41x128xf32>
    %dot_general3A = arith.constant dense<0.000000e+00> : vector<1024x128xf32>
    %dot_general3A_5 = tpu.matmul %get3A_1, %get3A_4, %dot_general3A {dimension_numbers = #tpu.dot_dimension_numbers<[1], [0], [0], [1], [0, 0, 1, 1], [], []>, transpose_lhs_hint = false} : vector<1024x41xf32>, vector<41x128xf32>, vector<1024x128xf32> -> vector<1024x128xf32>
    %get3A_6 = arith.constant 0 : index
    %get3A_7 = arith.constant 0 : index
    %get3A_8 = vector.load %arg2[%get3A_6, %get3A_7] : memref<1x128xf32, #tpu.memory_space<vmem>>, vector<1x128xf32>
    %add3A = vector.broadcast %get3A_8 : vector<1x128xf32> to vector<1024x128xf32>
    %add3A_9 = arith.addf %dot_general3A_5, %add3A : vector<1024x128xf32>
    %get3A_10 = arith.constant 0 : index
    %get3A_11 = arith.constant 0 : index
    %get3A_12 = vector.load %arg3[%get3A_10, %get3A_11] : memref<1x128xf32, #tpu.memory_space<vmem>>, vector<1x128xf32>
    %get3A_13 = arith.constant 0 : index
    %get3A_14 = arith.constant 0 : index
    %get3A_15 = vector.load %arg4[%get3A_13, %get3A_14] : memref<1x128xf32, #tpu.memory_space<vmem>>, vector<1x128xf32>
    %reduce_sum3A = arith.constant dense<0.000000e+00> : vector<128xf32>
    %reduce_sum3A_16 = vector.multi_reduction <add>, %add3A_9, %reduce_sum3A [0] : vector<1024x128xf32> to vector<128xf32>
    %broadcast_in_dim3A = vector.shape_cast %reduce_sum3A_16 : vector<128xf32> to vector<1x128xf32>
    %div3A = arith.constant 1.024000e+03 : f32
    %div3A_17 = vector.broadcast %div3A : f32 to vector<1x128xf32>
    %div3A_18 = arith.divf %broadcast_in_dim3A, %div3A_17 : vector<1x128xf32>
    %sub3A = vector.broadcast %div3A_18 : vector<1x128xf32> to vector<1024x128xf32>
    %sub3A_19 = arith.subf %add3A_9, %sub3A : vector<1024x128xf32>
    %integer_pow3A = arith.mulf %sub3A_19, %sub3A_19 : vector<1024x128xf32>
    %reduce_sum3A_20 = arith.constant dense<0.000000e+00> : vector<128xf32>
    %reduce_sum3A_21 = vector.multi_reduction <add>, %integer_pow3A, %reduce_sum3A_20 [0] : vector<1024x128xf32> to vector<128xf32>
    %broadcast_in_dim3A_22 = vector.shape_cast %reduce_sum3A_21 : vector<128xf32> to vector<1x128xf32>
    %div3A_23 = arith.constant 1.024000e+03 : f32
    %div3A_24 = vector.broadcast %div3A_23 : f32 to vector<1x128xf32>
    %div3A_25 = arith.divf %broadcast_in_dim3A_22, %div3A_24 : vector<1x128xf32>
    %sub3A_26 = vector.broadcast %div3A_18 : vector<1x128xf32> to vector<1024x128xf32>
    %sub3A_27 = arith.subf %add3A_9, %sub3A_26 : vector<1024x128xf32>
    %add3A_28 = arith.constant 9.99999974E-6 : f32
    %add3A_29 = vector.broadcast %add3A_28 : f32 to vector<1x128xf32>
    %add3A_30 = arith.addf %div3A_25, %add3A_29 : vector<1x128xf32>
    %sqrt3A = math.sqrt %add3A_30 : vector<1x128xf32>
    %div3A_31 = vector.broadcast %sqrt3A : vector<1x128xf32> to vector<1024x128xf32>
    %div3A_32 = arith.divf %sub3A_27, %div3A_31 : vector<1024x128xf32>
    %mul3A = vector.broadcast %get3A_12 : vector<1x128xf32> to vector<1024x128xf32>
    %mul3A_33 = arith.mulf %div3A_32, %mul3A : vector<1024x128xf32>
    %add3A_34 = vector.broadcast %get3A_15 : vector<1x128xf32> to vector<1024x128xf32>
    %add3A_35 = arith.addf %mul3A_33, %add3A_34 : vector<1024x128xf32>
    %max3A = arith.constant 0.000000e+00 : f32
    %max3A_36 = vector.broadcast %max3A : f32 to vector<1024x128xf32>
    %max3A_37 = arith.maximumf %add3A_35, %max3A_36 : vector<1024x128xf32>
    %get3A_38 = arith.constant 0 : index
    %get3A_39 = arith.constant 0 : index
    %get3A_40 = vector.load %arg5[%get3A_38, %get3A_39] : memref<1024x128xf32, #tpu.memory_space<vmem>>, vector<1024x128xf32>
    %get3A_41 = arith.constant 0 : index
    %get3A_42 = arith.constant 0 : index
    %get3A_43 = vector.load %arg9[%get3A_41, %get3A_42] : memref<3x128xf32, #tpu.memory_space<vmem>>, vector<3x128xf32>
    %get3A_44 = arith.constant 0 : index
    %get3A_45 = arith.constant 0 : index
    %get3A_46 = vector.load %arg10[%get3A_44, %get3A_45] : memref<3x128xf32, #tpu.memory_space<vmem>>, vector<3x128xf32>
    %get3A_47 = arith.constant 0 : index
    %get3A_48 = arith.constant 0 : index
    %get3A_49 = vector.load %arg11[%get3A_47, %get3A_48] : memref<3x128xf32, #tpu.memory_space<vmem>>, vector<3x128xf32>
    %get3A_50 = arith.constant 0 : index
    %get3A_51 = arith.constant 0 : index
    %get3A_52 = vector.load %arg13[%get3A_50, %get3A_51] : memref<3x1xf32, #tpu.memory_space<vmem>>, vector<3x1xf32>
    %get3A_53 = arith.constant 0 : index
    %get3A_54 = arith.constant 0 : index
    %get3A_55 = arith.constant 0 : index
    %get3A_56 = vector.load %arg6[%get3A_53, %get3A_54, %get3A_55] : memref<3x128x128xf32, #tpu.memory_space<vmem>>, vector<1x128x128xf32>
    %get3A_57 = vector.shape_cast %get3A_56 : vector<1x128x128xf32> to vector<128x128xf32>
    %dot_general3A_58 = arith.constant dense<0.000000e+00> : vector<1024x128xf32>
    %dot_general3A_59 = tpu.matmul %max3A_37, %get3A_57, %dot_general3A_58 {dimension_numbers = #tpu.dot_dimension_numbers<[1], [0], [0], [1], [0, 0, 1, 1], [], []>, transpose_lhs_hint = false} : vector<1024x128xf32>, vector<128x128xf32>, vector<1024x128xf32> -> vector<1024x128xf32>
    %get3A_60 = arith.constant 0 : index
    %get3A_61 = arith.constant 0 : index
    %get3A_62 = arith.constant 0 : index
    %get3A_63 = vector.load %arg7[%get3A_60, %get3A_61, %get3A_62] : memref<3x128x128xf32, #tpu.memory_space<vmem>>, vector<1x128x128xf32>
    %get3A_64 = vector.shape_cast %get3A_63 : vector<1x128x128xf32> to vector<128x128xf32>
    %dot_general3A_65 = arith.constant dense<0.000000e+00> : vector<1024x128xf32>
    %dot_general3A_66 = tpu.matmul %get3A_40, %get3A_64, %dot_general3A_65 {dimension_numbers = #tpu.dot_dimension_numbers<[1], [0], [0], [1], [0, 0, 1, 1], [], []>, transpose_lhs_hint = false} : vector<1024x128xf32>, vector<128x128xf32>, vector<1024x128xf32> -> vector<1024x128xf32>
    %add3A_67 = arith.addf %dot_general3A_59, %dot_general3A_66 : vector<1024x128xf32>
    %get3A_68 = arith.constant 0 : index
    %get3A_69 = arith.constant 0 : index
    %get3A_70 = arith.constant 0 : index
    %get3A_71 = vector.load %arg8[%get3A_68, %get3A_69, %get3A_70] : memref<3x128x128xf32, #tpu.memory_space<vmem>>, vector<1x128x128xf32>
    %get3A_72 = vector.shape_cast %get3A_71 : vector<1x128x128xf32> to vector<128x128xf32>
    %dot_general3A_73 = arith.constant dense<0.000000e+00> : vector<1024x128xf32>
    %dot_general3A_74 = tpu.matmul %add3A_67, %get3A_72, %dot_general3A_73 {dimension_numbers = #tpu.dot_dimension_numbers<[1], [0], [0], [1], [0, 0, 1, 1], [], []>, transpose_lhs_hint = false} : vector<1024x128xf32>, vector<128x128xf32>, vector<1024x128xf32> -> vector<1024x128xf32>
    %slice3A = vector.extract_strided_slice %get3A_43 {offsets = [0, 0], sizes = [1, 128], strides = [1, 1]} : vector<3x128xf32> to vector<1x128xf32>
    %add3A_75 = vector.broadcast %slice3A : vector<1x128xf32> to vector<1024x128xf32>
    %add3A_76 = arith.addf %dot_general3A_74, %add3A_75 : vector<1024x128xf32>
    %slice3A_77 = vector.extract_strided_slice %get3A_46 {offsets = [0, 0], sizes = [1, 128], strides = [1, 1]} : vector<3x128xf32> to vector<1x128xf32>
    %slice3A_78 = vector.extract_strided_slice %get3A_49 {offsets = [0, 0], sizes = [1, 128], strides = [1, 1]} : vector<3x128xf32> to vector<1x128xf32>
    %reduce_sum3A_79 = arith.constant dense<0.000000e+00> : vector<128xf32>
    %reduce_sum3A_80 = vector.multi_reduction <add>, %add3A_76, %reduce_sum3A_79 [0] : vector<1024x128xf32> to vector<128xf32>
    %broadcast_in_dim3A_81 = vector.shape_cast %reduce_sum3A_80 : vector<128xf32> to vector<1x128xf32>
    %div3A_82 = arith.constant 1.024000e+03 : f32
    %div3A_83 = vector.broadcast %div3A_82 : f32 to vector<1x128xf32>
    %div3A_84 = arith.divf %broadcast_in_dim3A_81, %div3A_83 : vector<1x128xf32>
    %sub3A_85 = vector.broadcast %div3A_84 : vector<1x128xf32> to vector<1024x128xf32>
    %sub3A_86 = arith.subf %add3A_76, %sub3A_85 : vector<1024x128xf32>
    %integer_pow3A_87 = arith.mulf %sub3A_86, %sub3A_86 : vector<1024x128xf32>
    %reduce_sum3A_88 = arith.constant dense<0.000000e+00> : vector<128xf32>
    %reduce_sum3A_89 = vector.multi_reduction <add>, %integer_pow3A_87, %reduce_sum3A_88 [0] : vector<1024x128xf32> to vector<128xf32>
    %broadcast_in_dim3A_90 = vector.shape_cast %reduce_sum3A_89 : vector<128xf32> to vector<1x128xf32>
    %div3A_91 = arith.constant 1.024000e+03 : f32
    %div3A_92 = vector.broadcast %div3A_91 : f32 to vector<1x128xf32>
    %div3A_93 = arith.divf %broadcast_in_dim3A_90, %div3A_92 : vector<1x128xf32>
    %sub3A_94 = vector.broadcast %div3A_84 : vector<1x128xf32> to vector<1024x128xf32>
    %sub3A_95 = arith.subf %add3A_76, %sub3A_94 : vector<1024x128xf32>
    %add3A_96 = arith.constant 9.99999974E-6 : f32
    %add3A_97 = vector.broadcast %add3A_96 : f32 to vector<1x128xf32>
    %add3A_98 = arith.addf %div3A_93, %add3A_97 : vector<1x128xf32>
    %sqrt3A_99 = math.sqrt %add3A_98 : vector<1x128xf32>
    %div3A_100 = vector.broadcast %sqrt3A_99 : vector<1x128xf32> to vector<1024x128xf32>
    %div3A_101 = arith.divf %sub3A_95, %div3A_100 : vector<1024x128xf32>
    %mul3A_102 = vector.broadcast %slice3A_77 : vector<1x128xf32> to vector<1024x128xf32>
    %mul3A_103 = arith.mulf %div3A_101, %mul3A_102 : vector<1024x128xf32>
    %add3A_104 = vector.broadcast %slice3A_78 : vector<1x128xf32> to vector<1024x128xf32>
    %add3A_105 = arith.addf %mul3A_103, %add3A_104 : vector<1024x128xf32>
    %max3A_106 = arith.constant 0.000000e+00 : f32
    %max3A_107 = vector.broadcast %max3A_106 : f32 to vector<1024x128xf32>
    %max3A_108 = arith.maximumf %add3A_105, %max3A_107 : vector<1024x128xf32>
    %get3A_109 = arith.constant 0 : index
    %get3A_110 = arith.constant 0 : index
    %get3A_111 = arith.constant 0 : index
    %get3A_112 = vector.load %arg12[%get3A_109, %get3A_110, %get3A_111] : memref<3x128x1xf32, #tpu.memory_space<vmem>>, vector<1x128x1xf32>
    %get3A_113 = vector.shape_cast %get3A_112 : vector<1x128x1xf32> to vector<128x1xf32>
    %dot_general3A_114 = arith.constant dense<0.000000e+00> : vector<1024x1xf32>
    %dot_general3A_115 = tpu.matmul %max3A_108, %get3A_113, %dot_general3A_114 {dimension_numbers = #tpu.dot_dimension_numbers<[1], [0], [0], [1], [0, 0, 1, 1], [], []>, transpose_lhs_hint = false} : vector<1024x128xf32>, vector<128x1xf32>, vector<1024x1xf32> -> vector<1024x1xf32>
    %slice3A_116 = vector.extract_strided_slice %get3A_52 {offsets = [0, 0], sizes = [1, 1], strides = [1, 1]} : vector<3x1xf32> to vector<1x1xf32>
    %add3A_117 = vector.broadcast %slice3A_116 : vector<1x1xf32> to vector<1024x1xf32>
    %add3A_118 = arith.addf %dot_general3A_115, %add3A_117 : vector<1024x1xf32>
    %get3A_119 = arith.constant 1 : index
    %get3A_120 = arith.constant 0 : index
    %get3A_121 = arith.constant 0 : index
    %get3A_122 = vector.load %arg6[%get3A_119, %get3A_120, %get3A_121] : memref<3x128x128xf32, #tpu.memory_space<vmem>>, vector<1x128x128xf32>
    %get3A_123 = vector.shape_cast %get3A_122 : vector<1x128x128xf32> to vector<128x128xf32>
    %dot_general3A_124 = arith.constant dense<0.000000e+00> : vector<1024x128xf32>
    %dot_general3A_125 = tpu.matmul %max3A_37, %get3A_123, %dot_general3A_124 {dimension_numbers = #tpu.dot_dimension_numbers<[1], [0], [0], [1], [0, 0, 1, 1], [], []>, transpose_lhs_hint = false} : vector<1024x128xf32>, vector<128x128xf32>, vector<1024x128xf32> -> vector<1024x128xf32>
    %get3A_126 = arith.constant 1 : index
    %get3A_127 = arith.constant 0 : index
    %get3A_128 = arith.constant 0 : index
    %get3A_129 = vector.load %arg7[%get3A_126, %get3A_127, %get3A_128] : memref<3x128x128xf32, #tpu.memory_space<vmem>>, vector<1x128x128xf32>
    %get3A_130 = vector.shape_cast %get3A_129 : vector<1x128x128xf32> to vector<128x128xf32>
    %dot_general3A_131 = arith.constant dense<0.000000e+00> : vector<1024x128xf32>
    %dot_general3A_132 = tpu.matmul %get3A_40, %get3A_130, %dot_general3A_131 {dimension_numbers = #tpu.dot_dimension_numbers<[1], [0], [0], [1], [0, 0, 1, 1], [], []>, transpose_lhs_hint = false} : vector<1024x128xf32>, vector<128x128xf32>, vector<1024x128xf32> -> vector<1024x128xf32>
    %add3A_133 = arith.addf %dot_general3A_125, %dot_general3A_132 : vector<1024x128xf32>
    %get3A_134 = arith.constant 1 : index
    %get3A_135 = arith.constant 0 : index
    %get3A_136 = arith.constant 0 : index
    %get3A_137 = vector.load %arg8[%get3A_134, %get3A_135, %get3A_136] : memref<3x128x128xf32, #tpu.memory_space<vmem>>, vector<1x128x128xf32>
    %get3A_138 = vector.shape_cast %get3A_137 : vector<1x128x128xf32> to vector<128x128xf32>
    %dot_general3A_139 = arith.constant dense<0.000000e+00> : vector<1024x128xf32>
    %dot_general3A_140 = tpu.matmul %add3A_133, %get3A_138, %dot_general3A_139 {dimension_numbers = #tpu.dot_dimension_numbers<[1], [0], [0], [1], [0, 0, 1, 1], [], []>, transpose_lhs_hint = false} : vector<1024x128xf32>, vector<128x128xf32>, vector<1024x128xf32> -> vector<1024x128xf32>
    %slice3A_141 = vector.extract_strided_slice %get3A_43 {offsets = [1, 0], sizes = [1, 128], strides = [1, 1]} : vector<3x128xf32> to vector<1x128xf32>
    %add3A_142 = vector.broadcast %slice3A_141 : vector<1x128xf32> to vector<1024x128xf32>
    %add3A_143 = arith.addf %dot_general3A_140, %add3A_142 : vector<1024x128xf32>
    %slice3A_144 = vector.extract_strided_slice %get3A_46 {offsets = [1, 0], sizes = [1, 128], strides = [1, 1]} : vector<3x128xf32> to vector<1x128xf32>
    %slice3A_145 = vector.extract_strided_slice %get3A_49 {offsets = [1, 0], sizes = [1, 128], strides = [1, 1]} : vector<3x128xf32> to vector<1x128xf32>
    %reduce_sum3A_146 = arith.constant dense<0.000000e+00> : vector<128xf32>
    %reduce_sum3A_147 = vector.multi_reduction <add>, %add3A_143, %reduce_sum3A_146 [0] : vector<1024x128xf32> to vector<128xf32>
    %broadcast_in_dim3A_148 = vector.shape_cast %reduce_sum3A_147 : vector<128xf32> to vector<1x128xf32>
    %div3A_149 = arith.constant 1.024000e+03 : f32
    %div3A_150 = vector.broadcast %div3A_149 : f32 to vector<1x128xf32>
    %div3A_151 = arith.divf %broadcast_in_dim3A_148, %div3A_150 : vector<1x128xf32>
    %sub3A_152 = vector.broadcast %div3A_151 : vector<1x128xf32> to vector<1024x128xf32>
    %sub3A_153 = arith.subf %add3A_143, %sub3A_152 : vector<1024x128xf32>
    %integer_pow3A_154 = arith.mulf %sub3A_153, %sub3A_153 : vector<1024x128xf32>
    %reduce_sum3A_155 = arith.constant dense<0.000000e+00> : vector<128xf32>
    %reduce_sum3A_156 = vector.multi_reduction <add>, %integer_pow3A_154, %reduce_sum3A_155 [0] : vector<1024x128xf32> to vector<128xf32>
    %broadcast_in_dim3A_157 = vector.shape_cast %reduce_sum3A_156 : vector<128xf32> to vector<1x128xf32>
    %div3A_158 = arith.constant 1.024000e+03 : f32
    %div3A_159 = vector.broadcast %div3A_158 : f32 to vector<1x128xf32>
    %div3A_160 = arith.divf %broadcast_in_dim3A_157, %div3A_159 : vector<1x128xf32>
    %sub3A_161 = vector.broadcast %div3A_151 : vector<1x128xf32> to vector<1024x128xf32>
    %sub3A_162 = arith.subf %add3A_143, %sub3A_161 : vector<1024x128xf32>
    %add3A_163 = arith.constant 9.99999974E-6 : f32
    %add3A_164 = vector.broadcast %add3A_163 : f32 to vector<1x128xf32>
    %add3A_165 = arith.addf %div3A_160, %add3A_164 : vector<1x128xf32>
    %sqrt3A_166 = math.sqrt %add3A_165 : vector<1x128xf32>
    %div3A_167 = vector.broadcast %sqrt3A_166 : vector<1x128xf32> to vector<1024x128xf32>
    %div3A_168 = arith.divf %sub3A_162, %div3A_167 : vector<1024x128xf32>
    %mul3A_169 = vector.broadcast %slice3A_144 : vector<1x128xf32> to vector<1024x128xf32>
    %mul3A_170 = arith.mulf %div3A_168, %mul3A_169 : vector<1024x128xf32>
    %add3A_171 = vector.broadcast %slice3A_145 : vector<1x128xf32> to vector<1024x128xf32>
    %add3A_172 = arith.addf %mul3A_170, %add3A_171 : vector<1024x128xf32>
    %max3A_173 = arith.constant 0.000000e+00 : f32
    %max3A_174 = vector.broadcast %max3A_173 : f32 to vector<1024x128xf32>
    %max3A_175 = arith.maximumf %add3A_172, %max3A_174 : vector<1024x128xf32>
    %get3A_176 = arith.constant 1 : index
    %get3A_177 = arith.constant 0 : index
    %get3A_178 = arith.constant 0 : index
    %get3A_179 = vector.load %arg12[%get3A_176, %get3A_177, %get3A_178] : memref<3x128x1xf32, #tpu.memory_space<vmem>>, vector<1x128x1xf32>
    %get3A_180 = vector.shape_cast %get3A_179 : vector<1x128x1xf32> to vector<128x1xf32>
    %dot_general3A_181 = arith.constant dense<0.000000e+00> : vector<1024x1xf32>
    %dot_general3A_182 = tpu.matmul %max3A_175, %get3A_180, %dot_general3A_181 {dimension_numbers = #tpu.dot_dimension_numbers<[1], [0], [0], [1], [0, 0, 1, 1], [], []>, transpose_lhs_hint = false} : vector<1024x128xf32>, vector<128x1xf32>, vector<1024x1xf32> -> vector<1024x1xf32>
    %slice3A_183 = vector.extract_strided_slice %get3A_52 {offsets = [1, 0], sizes = [1, 1], strides = [1, 1]} : vector<3x1xf32> to vector<1x1xf32>
    %add3A_184 = vector.broadcast %slice3A_183 : vector<1x1xf32> to vector<1024x1xf32>
    %add3A_185 = arith.addf %dot_general3A_182, %add3A_184 : vector<1024x1xf32>
    %get3A_186 = arith.constant 2 : index
    %get3A_187 = arith.constant 0 : index
    %get3A_188 = arith.constant 0 : index
    %get3A_189 = vector.load %arg6[%get3A_186, %get3A_187, %get3A_188] : memref<3x128x128xf32, #tpu.memory_space<vmem>>, vector<1x128x128xf32>
    %get3A_190 = vector.shape_cast %get3A_189 : vector<1x128x128xf32> to vector<128x128xf32>
    %dot_general3A_191 = arith.constant dense<0.000000e+00> : vector<1024x128xf32>
    %dot_general3A_192 = tpu.matmul %max3A_37, %get3A_190, %dot_general3A_191 {dimension_numbers = #tpu.dot_dimension_numbers<[1], [0], [0], [1], [0, 0, 1, 1], [], []>, transpose_lhs_hint = false} : vector<1024x128xf32>, vector<128x128xf32>, vector<1024x128xf32> -> vector<1024x128xf32>
    %get3A_193 = arith.constant 2 : index
    %get3A_194 = arith.constant 0 : index
    %get3A_195 = arith.constant 0 : index
    %get3A_196 = vector.load %arg7[%get3A_193, %get3A_194, %get3A_195] : memref<3x128x128xf32, #tpu.memory_space<vmem>>, vector<1x128x128xf32>
    %get3A_197 = vector.shape_cast %get3A_196 : vector<1x128x128xf32> to vector<128x128xf32>
    %dot_general3A_198 = arith.constant dense<0.000000e+00> : vector<1024x128xf32>
    %dot_general3A_199 = tpu.matmul %get3A_40, %get3A_197, %dot_general3A_198 {dimension_numbers = #tpu.dot_dimension_numbers<[1], [0], [0], [1], [0, 0, 1, 1], [], []>, transpose_lhs_hint = false} : vector<1024x128xf32>, vector<128x128xf32>, vector<1024x128xf32> -> vector<1024x128xf32>
    %add3A_200 = arith.addf %dot_general3A_192, %dot_general3A_199 : vector<1024x128xf32>
    %get3A_201 = arith.constant 2 : index
    %get3A_202 = arith.constant 0 : index
    %get3A_203 = arith.constant 0 : index
    %get3A_204 = vector.load %arg8[%get3A_201, %get3A_202, %get3A_203] : memref<3x128x128xf32, #tpu.memory_space<vmem>>, vector<1x128x128xf32>
    %get3A_205 = vector.shape_cast %get3A_204 : vector<1x128x128xf32> to vector<128x128xf32>
    %dot_general3A_206 = arith.constant dense<0.000000e+00> : vector<1024x128xf32>
    %dot_general3A_207 = tpu.matmul %add3A_200, %get3A_205, %dot_general3A_206 {dimension_numbers = #tpu.dot_dimension_numbers<[1], [0], [0], [1], [0, 0, 1, 1], [], []>, transpose_lhs_hint = false} : vector<1024x128xf32>, vector<128x128xf32>, vector<1024x128xf32> -> vector<1024x128xf32>
    %slice3A_208 = vector.extract_strided_slice %get3A_43 {offsets = [2, 0], sizes = [1, 128], strides = [1, 1]} : vector<3x128xf32> to vector<1x128xf32>
    %add3A_209 = vector.broadcast %slice3A_208 : vector<1x128xf32> to vector<1024x128xf32>
    %add3A_210 = arith.addf %dot_general3A_207, %add3A_209 : vector<1024x128xf32>
    %slice3A_211 = vector.extract_strided_slice %get3A_46 {offsets = [2, 0], sizes = [1, 128], strides = [1, 1]} : vector<3x128xf32> to vector<1x128xf32>
    %slice3A_212 = vector.extract_strided_slice %get3A_49 {offsets = [2, 0], sizes = [1, 128], strides = [1, 1]} : vector<3x128xf32> to vector<1x128xf32>
    %reduce_sum3A_213 = arith.constant dense<0.000000e+00> : vector<128xf32>
    %reduce_sum3A_214 = vector.multi_reduction <add>, %add3A_210, %reduce_sum3A_213 [0] : vector<1024x128xf32> to vector<128xf32>
    %broadcast_in_dim3A_215 = vector.shape_cast %reduce_sum3A_214 : vector<128xf32> to vector<1x128xf32>
    %div3A_216 = arith.constant 1.024000e+03 : f32
    %div3A_217 = vector.broadcast %div3A_216 : f32 to vector<1x128xf32>
    %div3A_218 = arith.divf %broadcast_in_dim3A_215, %div3A_217 : vector<1x128xf32>
    %sub3A_219 = vector.broadcast %div3A_218 : vector<1x128xf32> to vector<1024x128xf32>
    %sub3A_220 = arith.subf %add3A_210, %sub3A_219 : vector<1024x128xf32>
    %integer_pow3A_221 = arith.mulf %sub3A_220, %sub3A_220 : vector<1024x128xf32>
    %reduce_sum3A_222 = arith.constant dense<0.000000e+00> : vector<128xf32>
    %reduce_sum3A_223 = vector.multi_reduction <add>, %integer_pow3A_221, %reduce_sum3A_222 [0] : vector<1024x128xf32> to vector<128xf32>
    %broadcast_in_dim3A_224 = vector.shape_cast %reduce_sum3A_223 : vector<128xf32> to vector<1x128xf32>
    %div3A_225 = arith.constant 1.024000e+03 : f32
    %div3A_226 = vector.broadcast %div3A_225 : f32 to vector<1x128xf32>
    %div3A_227 = arith.divf %broadcast_in_dim3A_224, %div3A_226 : vector<1x128xf32>
    %sub3A_228 = vector.broadcast %div3A_218 : vector<1x128xf32> to vector<1024x128xf32>
    %sub3A_229 = arith.subf %add3A_210, %sub3A_228 : vector<1024x128xf32>
    %add3A_230 = arith.constant 9.99999974E-6 : f32
    %add3A_231 = vector.broadcast %add3A_230 : f32 to vector<1x128xf32>
    %add3A_232 = arith.addf %div3A_227, %add3A_231 : vector<1x128xf32>
    %sqrt3A_233 = math.sqrt %add3A_232 : vector<1x128xf32>
    %div3A_234 = vector.broadcast %sqrt3A_233 : vector<1x128xf32> to vector<1024x128xf32>
    %div3A_235 = arith.divf %sub3A_229, %div3A_234 : vector<1024x128xf32>
    %mul3A_236 = vector.broadcast %slice3A_211 : vector<1x128xf32> to vector<1024x128xf32>
    %mul3A_237 = arith.mulf %div3A_235, %mul3A_236 : vector<1024x128xf32>
    %add3A_238 = vector.broadcast %slice3A_212 : vector<1x128xf32> to vector<1024x128xf32>
    %add3A_239 = arith.addf %mul3A_237, %add3A_238 : vector<1024x128xf32>
    %max3A_240 = arith.constant 0.000000e+00 : f32
    %max3A_241 = vector.broadcast %max3A_240 : f32 to vector<1024x128xf32>
    %max3A_242 = arith.maximumf %add3A_239, %max3A_241 : vector<1024x128xf32>
    %get3A_243 = arith.constant 2 : index
    %get3A_244 = arith.constant 0 : index
    %get3A_245 = arith.constant 0 : index
    %get3A_246 = vector.load %arg12[%get3A_243, %get3A_244, %get3A_245] : memref<3x128x1xf32, #tpu.memory_space<vmem>>, vector<1x128x1xf32>
    %get3A_247 = vector.shape_cast %get3A_246 : vector<1x128x1xf32> to vector<128x1xf32>
    %dot_general3A_248 = arith.constant dense<0.000000e+00> : vector<1024x1xf32>
    %dot_general3A_249 = tpu.matmul %max3A_242, %get3A_247, %dot_general3A_248 {dimension_numbers = #tpu.dot_dimension_numbers<[1], [0], [0], [1], [0, 0, 1, 1], [], []>, transpose_lhs_hint = false} : vector<1024x128xf32>, vector<128x1xf32>, vector<1024x1xf32> -> vector<1024x1xf32>
    %slice3A_250 = vector.extract_strided_slice %get3A_52 {offsets = [2, 0], sizes = [1, 1], strides = [1, 1]} : vector<3x1xf32> to vector<1x1xf32>
    %add3A_251 = vector.broadcast %slice3A_250 : vector<1x1xf32> to vector<1024x1xf32>
    %add3A_252 = arith.addf %dot_general3A_249, %add3A_251 : vector<1024x1xf32>
    %swap3A = arith.constant 0 : index
    %swap3A_253 = arith.constant 0 : index
    %swap3A_254 = vector.load %arg14[%swap3A, %swap3A_253] : memref<1024x1xf32, #tpu.memory_space<vmem>>, vector<1024x1xf32>
    tpu.vector_store %arg14[%swap3A, %swap3A_253], %add3A_118 {strides = array<i32>} : memref<1024x1xf32, #tpu.memory_space<vmem>>, vector<1024x1xf32>,
    %swap3A_255 = arith.constant 0 : index
    %swap3A_256 = arith.constant 0 : index
    %swap3A_257 = vector.load %arg15[%swap3A_255, %swap3A_256] : memref<1024x1xf32, #tpu.memory_space<vmem>>, vector<1024x1xf32>
    tpu.vector_store %arg15[%swap3A_255, %swap3A_256], %add3A_185 {strides = array<i32>} : memref<1024x1xf32, #tpu.memory_space<vmem>>, vector<1024x1xf32>,
    %swap3A_258 = arith.constant 0 : index
    %swap3A_259 = arith.constant 0 : index
    %swap3A_260 = vector.load %arg16[%swap3A_258, %swap3A_259] : memref<1024x1xf32, #tpu.memory_space<vmem>>, vector<1024x1xf32>
    tpu.vector_store %arg16[%swap3A_258, %swap3A_259], %add3A_252 {strides = array<i32>} : memref<1024x1xf32, #tpu.memory_space<vmem>>, vector<1024x1xf32>,
    return
  }
}

</mosaic_0001>

<sc_bundles>
// kernel: kernel.6.cloned.1.call-start
scs
__scs_entry_jumppad:
0x0: {  	(pc) =	sbr.rel $0x88, $3  }
0x1: {  	(tag) =	ssettag $0x0;
	lr =	simm.s32 $0x1  }
0x2: {  	[smem:$0x3F7C] =	sst lr;
	_ =	strace $0xD0000000  }
0x3: {  	_ = 	snop  }
0x4: {  	_ = 	snop  }
0x5: {  	_ = 	snop  }
0x6: {  	_ = 	snop  }
0x7: {  	_ = 	snop  }
__scs_overlays_trampoline_lowered:
0x8: {  	[smem:$0x3F8B] =	sst s0  }
0x9: {  	[smem:$0x3F8C] =	sst s1  }
0xa: {  	[smem:$0x3F8D] =	sst s2  }
0xb: {  	[smem:$0x3F8E] =	sst s3  }
0xc: {  	[smem:$0x3F8F] =	sst s4  }
0xd: {  	[smem:$0x3F90] =	sst s5  }
0xe: {  	[smem:$0x3F91] =	sst s6  }
0xf: {  	[smem:$0x3F92] =	sst s7  }
0x10: {  	[smem:$0x3F93] =	sst s8  }
0x11: {  	[smem:$0x3F94] =	sst s9;
	s0 =	simm.s32 @!p0 $0x0  }
0x12: {  	s1 =	sld [smem:$0x3F7A];
	s0 =	simm.s32 @p0 $0x1  }
0x13: {  	[smem:$0x3F95] =	sst s0;
	s0 =	simm.s32 @!p1 $0x0  }
0x14: {  	s2 =	sld [smem:$0x3F79];
	s0 =	simm.s32 @p1 $0x1  }
0x15: {  	[smem:$0x3F96] =	sst s0;
	s0 =	simm.s32 @!p2 $0x0  }
0x16: {  	s3 =	sld [smem:$0x3FDB];
	s0 =	simm.s32 @p2 $0x1  }
0x17: {  	s4 =	simm.s32 $0x1BF5;
	[smem:$0x3F98] =	sst s0  }
0x18: {  	s0 =	sld [smem:$0x3F7B];
	_ =	swait.ge [sflag:s4], $0x0  }
0x19: {  	s7 =	sld [smem:$0x3F7C]  }
0x1a: {  	s8 =	sadd.s32 $0xFFFFE003, lr  }
0x1b: {  	s9 =	sadd.s32 $0xFFFFFEF7, lr;
	s5 =	simm.s32 $0xFFFFFFFF;
	p2 =	slt.u32 s8, $0xFFFFF086  }
0x1c: {  	p1 =	slt.u32 s9, $0xF7A;
	s5 =	simm.s32 @!p2 $0x0  }
0x1d: {  	s5 =	simm.s32 @p1 $0x1;
	p0 =	seq.s32 s7, s2  }
0x1e: {  	s7 =	smul.u32 @!p0 $0xF7A, s2;
	p2 =	seq.s32 @!p0 s5, $0x0  }
0x1f: {  	s9 =	smul.u32 $0xF7A, s1;
	s8 =	simm.s32 @!p0 $0x1BF5;
	p2 =	por !p2, p0  }
0x20: {  	[sflag:s8] =	ssyncset.s32 @!p0 $0xFFFFF086;
	s6 =	sadd.s32 @!p0 s3, s7;
	s7 =	simm.s32 @!p0 $0x108  }
0x21: {  	s3 =	sadd.s32 s3, s9;
	s6 =	sadd.s32 @!p0 $0x88, s6;
	s7 =	simm.s32 @p2 $0x1082  }
0x22: {  	[simem:s7], [sflag:s8] =	dma.local @!p0 [hbm:s6], $0xF7A  }
0x23: {  	s9 =	sor.u32 $0xD0000000, s2;
	s6 =	simm.s32 $0x108;
	_ =	swait.ge @!p0 [sflag:s8], $0x0  }
0x24: {  	s3 =	sadd.s32 $0x88, s3;
	s6 =	simm.s32 @!p1 $0x1082;
	[sflag:s4] =	ssyncset.s32 $0xFFFFF086  }
0x25: {  	[simem:s6], [sflag:s4] =	dma.local [hbm:s3], $0xF7A  }
0x26: {  	[smem:$0x3F7C] =	sst s1;
	(tag) =	ssettag s2;
	_ =	strace s9  }
0x27: {  	s1 =	sld [smem:$0x3F8C]  }
0x28: {  	s2 =	sld [smem:$0x3F8D]  }
0x29: {  	s4 =	sld [smem:$0x3F8F]  }
0x2a: {  	p0 =	seq.s32 s5, $0x0;
	s5 =	sld [smem:$0x3F90]  }
0x2b: {  	s6 =	sld [smem:$0x3F91]  }
0x2c: {  	s7 =	sld [smem:$0x3F92]  }
0x2d: {  	s3 =	simm.s32 $0x108;
	s8 =	sld [smem:$0x3F93]  }
0x2e: {  	s3 =	simm.s32 @!p0 $0x1082;
	s9 =	sld [smem:$0x3F94]  }
0x2f: {  	lr =	sadd.s32 s0, s3;
	s0 =	sld [smem:$0x3F8B]  }
0x30: {  	s3 =	sld [smem:$0x3F8E]  }
0x31: {  	[smem:$0x3F97] =	sst s10  }
0x32: {  	s10 =	sld [smem:$0x3F95];
	_ =	sdelay $0x3  }
0x33: {  	p0 =	seq.s32 s10, $0x1;
	s10 =	sld [smem:$0x3F97];
	_ =	sdelay $0x3  }
0x34: {  	[smem:$0x3F97] =	sst s10  }
0x35: {  	s10 =	sld [smem:$0x3F96];
	_ =	sdelay $0x3  }
0x36: {  	p1 =	seq.s32 s10, $0x1;
	s10 =	sld [smem:$0x3F97];
	_ =	sdelay $0x3  }
0x37: {  	[smem:$0x3F97] =	sst s10  }
0x38: {  	s10 =	sld [smem:$0x3F98]  }
0x39: {  	_ = 	snop;
	(pc) =	sbr.ind lr, $3  }
0x3a: {  	_ = 	snop  }
0x3b: {  	_ = 	snop  }
0x3c: {  	p2 =	seq.s32 s10, $0x1;
	s10 =	sld [smem:$0x3F97]  }
0x3d: {  	_ =	shalt  }
0x3e: {  	_ =	shalt  }
0x3f: {  	_ =	shalt  }
0x40: {  	_ =	shalt  }
0x41: {  	_ =	shalt  }
0x42: {  	_ =	shalt  }
0x43: {  	_ =	shalt  }
0x44: {  	_ =	shalt  }
0x45: {  	_ =	shalt  }
0x46: {  	_ =	shalt  }
0x47: {  	_ =	shalt  }
0x48: {  	_ =	shalt  }
0x49: {  	_ =	shalt  }
0x4a: {  	_ =	shalt  }
0x4b: {  	_ =	shalt  }
0x4c: {  	_ =	shalt  }
0x4d: {  	_ =	shalt  }
0x4e: {  	_ =	shalt  }
0x4f: {  	_ =	shalt  }
0x50: {  	_ =	shalt  }
0x51: {  	_ =	shalt  }
0x52: {  	_ =	shalt  }
0x53: {  	_ =	shalt  }
0x54: {  	_ =	shalt  }
0x55: {  	_ =	shalt  }
0x56: {  	_ =	shalt  }
0x57: {  	_ =	shalt  }
0x58: {  	_ =	shalt  }
0x59: {  	_ =	shalt  }
0x5a: {  	_ =	shalt  }
0x5b: {  	_ =	shalt  }
0x5c: {  	_ =	shalt  }
0x5d: {  	_ =	shalt  }
0x5e: {  	_ =	shalt  }
0x5f: {  	_ =	shalt  }
0x60: {  	_ =	shalt  }
0x61: {  	_ =	shalt  }
0x62: {  	_ =	shalt  }
0x63: {  	_ =	shalt  }
0x64: {  	_ =	shalt  }
0x65: {  	_ =	shalt  }
0x66: {  	_ =	shalt  }
0x67: {  	_ =	shalt  }
0x68: {  	_ =	shalt  }
0x69: {  	_ =	shalt  }
0x6a: {  	_ =	shalt  }
0x6b: {  	_ =	shalt  }
0x6c: {  	_ =	shalt  }
0x6d: {  	_ =	shalt  }
0x6e: {  	_ =	shalt  }
0x6f: {  	_ =	shalt  }
0x70: {  	_ =	shalt  }
0x71: {  	_ =	shalt  }
0x72: {  	_ =	shalt  }
0x73: {  	_ =	shalt  }
0x74: {  	_ =	shalt  }
0x75: {  	_ =	shalt  }
0x76: {  	_ =	shalt  }
0x77: {  	_ =	shalt  }
0x78: {  	_ =	shalt  }
0x79: {  	_ =	shalt  }
0x7a: {  	_ =	shalt  }
0x7b: {  	_ =	shalt  }
0x7c: {  	_ =	shalt  }
0x7d: {  	_ =	shalt  }
0x7e: {  	_ =	shalt  }
0x7f: {  	_ =	shalt  }
0x80: {  	_ =	shalt  }
0x81: {  	_ =	shalt  }
0x82: {  	_ =	shalt  }
0x83: {  	_ =	shalt  }
0x84: {  	_ =	shalt  }
0x85: {  	_ =	shalt  }
0x86: {  	_ =	shalt  }
0x87: {  	_ =	shalt  }
.Lfunc_end0:
.L_simem_size_0:
called_computation_lowered:
.L_overlay_start_0:
0x88: {  	s2 =	sld [smem:$0x3FD9]  }
0x89: {  	s3 =	sld [smem:$0x3FFE];
	_ =	sdelay $0x1  }
0x8a: {  	s1 =	srdreg.scid  }
0x8b: {  	s0 =	sand.u32 $0x1, s1  }
0x8c: {  	s17 =	sshll.u32 s0, $0xA;
	s2 =	sadd.s32 s3, s2  }
0x8d: {  	s2 =	sadd.s32 s2, s17  }
0x8e: {  	[smem:$0x3FA3] =	sst s2  }
0x8f: {  	_ = 	snop  }
0x90: {  	s2 =	sld [smem:$0x3FC7];
	(tm) =	ssettm $0x1  }
0x91: {  	s18 =	sld [smem:$0x3FFB];
	_ =	sdelay $0x3  }
0x92: {  	_ =	strace s18  }
0x93: {  	s3 =	sld [smem:$0x3FFC];
	_ =	sdelay $0x3  }
0x94: {  	_ =	strace s3  }
0x95: {  	s3 =	sld [smem:$0x3FFD];
	_ =	sdelay $0x3  }
0x96: {  	_ =	strace s3  }
0x97: {  	_ =	strace $0x8FFFFFFF  }
0x98: {  	s19 =	sld [smem:$0x3FDB];
	_ =	sdelay $0x1  }
0x99: {  	s4 =	simm.s32 $_scs_section_size  }
0x9a: {  	s5 =	simm.s32 $_size__tile_overlayer_lowered;
	s6 =	simm.s32 $_tile_overlayer_lowered  }
0x9b: {  	s22 =	simm.s32 $0x1BFF;
	s21 =	sshll.u32 s6, $0x1;
	s3 =	sadd.s32 s4, s19  }
0x9c: {  	s7 =	simm.s32 $0x0;
	s20 =	sshll.u32 s5, $0x1;
	s5 =	sadd.s32 s21, s3  }
0x9d: {  	[timem:s7], [sflag:s22] =	dma.local [hbm:s5], s20  }
0x9e: {  	_ =	swait.ge [sflag:s22], s20  }
0x9f: {  	s4 =	ssub.s32 $0x0, s20;
	[sflag:s22] =	ssyncset.done $0x0  }
0xa0: {  	[sflag:s22] =	ssyncadd.s32 s4;
	_ =	sdelay $0x1  }
0xa1: {  	s23 =	simm.s32 $0x1B8B  }
0xa2: {  	_ =	swait.ge [sflag:s23], $0x1  }
0xa3: {  	[sflag:s23] =	ssyncset.done $0x0  }
0xa4: {  	s25 =	simm.s32 $0x1B8E;
	s24 =	sld [smem:$0x3FFE];
	[sflag:s23] =	ssyncadd.s32 $0xFFFFFFFF  }
0xa5: {  	s26 =	simm.s32 $execute0_lowered;
	[smem:$0x3FD2] =	sst s25  }
0xa6: {  	s5 =	sshll.u32 s26, $0x1;
	_ =	strace $0x80000046;
	[dreg:$0x1] =	wrdreg $0xFFFFFFFF  }
0xa7: {  	s28 =	simm.s32 $_size_execute0_lowered;
	s3 =	sadd.s32 s3, s5;
	[dreg:$0x0] =	wrdreg $0x0  }
0xa8: {  	s5 =	sshll.u32 s28, $0x1;
	[dreg:$0x2] =	wrdreg s3  }
0xa9: {  	[dreg:$0x3] =	wrdreg s5  }
0xaa: {  	[dreg:$0x4] =	wrdreg $0xC0  }
0xab: {  	_ =	task [dreg:s7], $0x5FFFF  }
0xac: {  	[dreg:$0x1] =	wrdreg $0xFFFFFFFF  }
0xad: {  	[dreg:$0x0] =	wrdreg $0x60  }
0xae: {  	[dreg:$0x2] =	wrdreg s24  }
0xaf: {  	[dreg:$0x3] =	wrdreg s2  }
0xb0: {  	[dreg:$0x4] =	wrdreg $0x9  }
0xb1: {  	_ =	task.clear_ibuf [dreg:s7], $0x5FFFF;
	_ =	strace $0x90000046  }
0xb2: {  	s29 =	simm.s32 $0x9;
	_ =	strace $0x80000048  }
0xb3: {  	_ =	swait.ge [sflag:s29], $0x1  }
0xb4: {  	[sflag:s29] =	ssyncadd.s32 $0xFFFFFFFF  }
0xb5: {  	_ =	strace $0x90000048  }
0xb6: {  	_ =	sfence  }
0xb7: {  	s30 =	sld [smem:$0x0];
	_ =	sdelay $0x2  }
0xb8: {  	s31 =	sshll.u32 s1, $0xD;
	s1 =	sshrl.u32 s1, $0x2  }
0xb9: {  	s3 =	sand.u32 $0x4000, s31;
	s1 =	sadd.s32 s1, s30  }
0xba: {  	s0 =	sor.u32 s3, s0;
	s1 =	sshll.u32 s1, $0x11  }
0xbb: {  	s0 =	sor.u32 s1, s0  }
0xbc: {  	s0 =	sadd.s32 $0x8F2B, s0  }
0xbd: {  	[sflag:s0] =	ssyncadd.remote.s32 $0x1  }
0xbe: {  	_ =	sfence.sel $0xFFFF  }
0xbf: {  	[dreg:$0x0] =	wrdreg $0xFFFFFFFF;
	(pc) =	sbr.abs _section_cstart, $3  }
0xc0: {  	[dreg:$0x1] =	wrdreg $0xFFFFFFFF  }
0xc1: {  	_ =	task.clear_ibuf [dreg:s7], $0x2FFFF;
	_ =	strace $0x9FFFFFFF  }
0xc2: {  	(tm) =	ssettm $0x7FFFFFFF  }
0xc3: {  	_ =	shalt  }
tec
execute0_lowered:
.L_overlay_start_1:
0x0: {  	(tag) =	ssettag $0x1  }
0x1: {  	s1 =	srdreg.scid;
	s0 =	stileid.u32  }
0x2: {  	s25 =	sand.u32 $0x1, s1;
	s31 =	sshll.u32 s0, $0x1  }
0x3: {  	s30 =	sor.u32 s25, s31  }
0x4: {  	s29 =	rddreg [dreg:$0x0];
	s3 =	smul.u32 $0x50, s30  }
0x5: {  	s23 =	rddreg [dreg:$0x1];
	s2 =	simm.s32 $0x0  }
0x6: {  	[smem:$0x7FF] =	sst s2;
	s3 =	sadd.s32 s3, s29  }
0x7: {  	_ =	strace $0x80000047;
	s4 =	sadd.s32 $0xC6C00, s3;
	s3 =	simm.s32 $0x2  }
0x8: {  	[tilespmem:s2], [sflag:$0x2] =	stream.linear.gather [hbm4b:s4+s2], $0x280, $0x38;
	[tilespmem:$0x5EE0] =	vst v63  }
0x9: {  	_ =	swait.ge [sflag:s3], $0x280  }
0xa: {  	s6 =	simm.s32 $0x80;
	s7 =	simm.s32 $0x280;
	[sflag:s3] =	ssyncset.done $0x0  }
0xb: {  	s8 =	simm.s32 $0x1;
	s5 =	sadd.s32 $0x3600, s29;
	[sflag:s3] =	ssyncadd.s32 $0xFFFFFD80  }
0xc: {  	[tilespmem:s7], [sflag:$0x1] =	stream.indirect.gather [hbm4b:s5+s6], $0x20, s2, s6, $0xb8;
	[tilespmem:$0x5EE0] =	vst v63  }
0xd: {  	_ =	swait.ge [sflag:s8], $0x1000  }
0xe: {  	[sflag:s8] =	ssyncset.done $0x0  }
0xf: {  	s9 =	simm.s32 $0x1280;
	[sflag:s8] =	ssyncadd.s32 $0xFFFFF000  }
0x10: {  	[tilespmem:s9], [sflag:$0x1] =	stream.indirect.gather [hbm4b:s5+s6], $0x20, s6, s6, $0xb8;
	[tilespmem:$0x5EE0] =	vst v63  }
0x11: {  	_ =	swait.ge [sflag:s8], $0x1000  }
0x12: {  	[sflag:s8] =	ssyncset.done $0x0  }
0x13: {  	s10 =	simm.s32 $0x100;
	s11 =	simm.s32 $0x2280;
	[sflag:s8] =	ssyncadd.s32 $0xFFFFF000  }
0x14: {  	[tilespmem:s11], [sflag:$0x1] =	stream.indirect.gather [hbm4b:s5+s6], $0x20, s10, s6, $0xb8;
	[tilespmem:$0x5EE0] =	vst v63  }
0x15: {  	_ =	swait.ge [sflag:s8], $0x1000  }
0x16: {  	[sflag:s8] =	ssyncset.done $0x0  }
0x17: {  	s12 =	simm.s32 $0x180;
	s13 =	simm.s32 $0x3280;
	[sflag:s8] =	ssyncadd.s32 $0xFFFFF000  }
0x18: {  	[tilespmem:s13], [sflag:$0x1] =	stream.indirect.gather [hbm4b:s5+s6], $0x20, s12, s6, $0xb8;
	[tilespmem:$0x5EE0] =	vst v63  }
0x19: {  	_ =	swait.ge [sflag:s8], $0x1000  }
0x1a: {  	s14 =	simm.s32 $0x200;
	[sflag:s8] =	ssyncset.done $0x0  }
0x1b: {  	s15 =	simm.s32 $0x4280;
	s16 =	smul.u32 $0xA00, s30;
	[sflag:s8] =	ssyncadd.s32 $0xFFFFF000  }
0x1c: {  	[tilespmem:s15], [sflag:$0x1] =	stream.indirect.gather [hbm4b:s5+s6], $0x20, s14, s6, $0xb8;
	[tilespmem:$0x5EE0] =	vst v63  }
0x1d: {  	_ =	swait.ge [sflag:s8], $0x1000  }
0x1e: {  	s16 =	sadd.s32 s16, s29;
	[sflag:s8] =	ssyncset.done $0x0  }
0x1f: {  	s16 =	sadd.s32 $0xCF400, s16;
	[sflag:s8] =	ssyncadd.s32 $0xFFFFF000  }
0x20: {  	[hbm4b:s16+s2] =	stream.linear.scatter [tilespmem:s7], [sflag:$0x2], $0x5000, $0x38;
	[tilespmem:$0x5EE0] =	vst v63  }
0x21: {  	s17 =	sshll.u32 s30, $0x3;
	_ =	swait.ge [sflag:s3], $0x5000  }
0x22: {  	s17 =	sadd.s32 s17, s29;
	[sflag:s3] =	ssyncset.done $0x0  }
0x23: {  	s18 =	simm.s32 $0x5280;
	s17 =	sadd.s32 $0xCBE00, s17;
	[sflag:s3] =	ssyncadd.s32 $0xFFFFB000  }
0x24: {  	[tilespmem:s18], [sflag:$0x2] =	stream.linear.gather [hbm4b:s17+s2], $0x40, $0x38;
	[tilespmem:$0x5EE0] =	vst v63  }
0x25: {  	_ =	swait.ge [sflag:s3], $0x40  }
0x26: {  	s20 =	simm.s32 $0x40;
	[sflag:s3] =	ssyncset.done $0x0  }
0x27: {  	s21 =	simm.s32 $0x52C0;
	s19 =	sadd.s32 $0xC7600, s29;
	[sflag:s3] =	ssyncadd.s32 $0xFFFFFFC0  }
0x28: {  	[tilespmem:s21], [sflag:$0x1] =	stream.indirect.gather [hbm4b:s19+s20], $0x20, s18, s20, $0xb8;
	[tilespmem:$0x5EE0] =	vst v63  }
0x29: {  	s22 =	sshll.u32 s30, $0x8;
	_ =	swait.ge [sflag:s8], $0x800  }
0x2a: {  	s22 =	sadd.s32 s22, s29;
	[sflag:s8] =	ssyncset.done $0x0  }
0x2b: {  	s22 =	sadd.s32 $0xCC400, s22;
	[sflag:s8] =	ssyncadd.s32 $0xFFFFF800  }
0x2c: {  	[hbm4b:s22+s2] =	stream.linear.scatter [tilespmem:s21], [sflag:$0x2], $0x800, $0x38;
	[tilespmem:$0x5EE0] =	vst v63  }
0x2d: {  	_ =	swait.ge [sflag:s3], $0x800  }
0x2e: {  	s31 =	ssub.s32 $0x2, s25;
	s24 =	sshll.u32 s30, $0x2;
	[sflag:s3] =	ssyncset.done $0x0  }
0x2f: {  	s23 =	sadd.s32 s23, s24;
	s24 =	simm.s32 $0x5AC0;
	[sflag:s3] =	ssyncadd.s32 $0xFFFFF800  }
0x30: {  	[tilespmem:s24], [sflag:$0x2] =	stream.linear.gather [hbm4b:s23+s2], $0x20, $0x38;
	[tilespmem:$0x5EE0] =	vst v63  }
0x31: {  	s26 =	simm.s32 $0x20;
	s1 =	sshrl.u32 s31, $0x1;
	_ =	swait.ge [sflag:s3], $0x20  }
0x32: {  	s28 =	simm.s32 $0x5AE0;
	s1 =	ssub.s32 s31, s1;
	[sflag:s3] =	ssyncset.done $0x0  }
0x33: {  	s25 =	sadd.s32 $0xCC000, s29;
	s1 =	smax.u32 s1, $0x1;
	[sflag:s3] =	ssyncadd.s32 $0xFFFFFFE0  }
0x34: {  	[tilespmem:s28], [sflag:$0x1] =	stream.indirect.gather [hbm4b:s25+s26], $0x20, s24, s26, $0xb8;
	[tilespmem:$0x5EE0] =	vst v63  }
0x35: {  	s30 =	sshll.u32 s30, $0x7;
	p0 =	sne.s32 s1, $0x1;
	_ =	swait.ge [sflag:s8], $0x400  }
.Ltmp0:
0x36: {  	s29 =	sadd.s32 s30, s29;
	[sflag:s8] =	ssyncset.done $0x0;
	(pc) =	sbr.rel @!p0 .LBB2_2-.Ltmp0, $4  }
0x37: {  	s29 =	sadd.s32 $0xCE400, s29;
	[sflag:s8] =	ssyncadd.s32 $0xFFFFFC00  }
0x38: {  	[hbm4b:s29+s2] =	stream.linear.scatter [tilespmem:s28], [sflag:$0x2], $0x400, $0x38;
	[tilespmem:$0x5EE0] =	vst v63  }
0x39: {  	_ =	swait.ge [sflag:s3], $0x400  }
0x3a: {  	s30 =	sadd.s32 $0xFFFFFFFF, s1;
	[sflag:s3] =	ssyncset.done $0x0  }
.LBB2_1:
0x3b: {  	p0 =	sne.s32 s30, $0x1;
	s30 =	sadd.s32 $0xFFFFFFFF, s30;
	[sflag:s3] =	ssyncadd.s32 $0xFFFFFC00  }
0x3c: {  	[tilespmem:s2], [sflag:$0x2] =	stream.linear.gather [hbm4b:s4+s2], $0x280, $0x38;
	[tilespmem:$0x5EE0] =	vst v63  }
0x3d: {  	_ =	swait.ge [sflag:s3], $0x280  }
0x3e: {  	[sflag:s3] =	ssyncset.done $0x0  }
0x3f: {  	[sflag:s3] =	ssyncadd.s32 $0xFFFFFD80  }
0x40: {  	[tilespmem:s7], [sflag:$0x1] =	stream.indirect.gather [hbm4b:s5+s6], $0x20, s2, s6, $0xb8;
	[tilespmem:$0x5EE0] =	vst v63  }
0x41: {  	_ =	swait.ge [sflag:s8], $0x1000  }
0x42: {  	[sflag:s8] =	ssyncset.done $0x0  }
0x43: {  	[sflag:s8] =	ssyncadd.s32 $0xFFFFF000  }
0x44: {  	[tilespmem:s9], [sflag:$0x1] =	stream.indirect.gather [hbm4b:s5+s6], $0x20, s6, s6, $0xb8;
	[tilespmem:$0x5EE0] =	vst v63  }
0x45: {  	_ =	swait.ge [sflag:s8], $0x1000  }
0x46: {  	[sflag:s8] =	ssyncset.done $0x0  }
0x47: {  	[sflag:s8] =	ssyncadd.s32 $0xFFFFF000  }
0x48: {  	[tilespmem:s11], [sflag:$0x1] =	stream.indirect.gather [hbm4b:s5+s6], $0x20, s10, s6, $0xb8;
	[tilespmem:$0x5EE0] =	vst v63  }
0x49: {  	_ =	swait.ge [sflag:s8], $0x1000  }
0x4a: {  	[sflag:s8] =	ssyncset.done $0x0  }
0x4b: {  	[sflag:s8] =	ssyncadd.s32 $0xFFFFF000  }
0x4c: {  	[tilespmem:s13], [sflag:$0x1] =	stream.indirect.gather [hbm4b:s5+s6], $0x20, s12, s6, $0xb8;
	[tilespmem:$0x5EE0] =	vst v63  }
0x4d: {  	_ =	swait.ge [sflag:s8], $0x1000  }
0x4e: {  	[sflag:s8] =	ssyncset.done $0x0  }
0x4f: {  	[sflag:s8] =	ssyncadd.s32 $0xFFFFF000  }
0x50: {  	[tilespmem:s15], [sflag:$0x1] =	stream.indirect.gather [hbm4b:s5+s6], $0x20, s14, s6, $0xb8;
	[tilespmem:$0x5EE0] =	vst v63  }
0x51: {  	_ =	swait.ge [sflag:s8], $0x1000  }
0x52: {  	[sflag:s8] =	ssyncset.done $0x0  }
0x53: {  	[sflag:s8] =	ssyncadd.s32 $0xFFFFF000  }
0x54: {  	[hbm4b:s16+s2] =	stream.linear.scatter [tilespmem:s7], [sflag:$0x2], $0x5000, $0x38;
	[tilespmem:$0x5EE0] =	vst v63  }
0x55: {  	_ =	swait.ge [sflag:s3], $0x5000  }
0x56: {  	[sflag:s3] =	ssyncset.done $0x0  }
0x57: {  	[sflag:s3] =	ssyncadd.s32 $0xFFFFB000  }
0x58: {  	[tilespmem:s18], [sflag:$0x2] =	stream.linear.gather [hbm4b:s17+s2], $0x40, $0x38;
	[tilespmem:$0x5EE0] =	vst v63  }
0x59: {  	_ =	swait.ge [sflag:s3], $0x40  }
0x5a: {  	[sflag:s3] =	ssyncset.done $0x0  }
0x5b: {  	[sflag:s3] =	ssyncadd.s32 $0xFFFFFFC0  }
0x5c: {  	[tilespmem:s21], [sflag:$0x1] =	stream.indirect.gather [hbm4b:s19+s20], $0x20, s18, s20, $0xb8;
	[tilespmem:$0x5EE0] =	vst v63  }
0x5d: {  	_ =	swait.ge [sflag:s8], $0x800  }
0x5e: {  	[sflag:s8] =	ssyncset.done $0x0  }
0x5f: {  	[sflag:s8] =	ssyncadd.s32 $0xFFFFF800  }
0x60: {  	[hbm4b:s22+s2] =	stream.linear.scatter [tilespmem:s21], [sflag:$0x2], $0x800, $0x38;
	[tilespmem:$0x5EE0] =	vst v63  }
0x61: {  	_ =	swait.ge [sflag:s3], $0x800  }
0x62: {  	[sflag:s3] =	ssyncset.done $0x0  }
0x63: {  	[sflag:s3] =	ssyncadd.s32 $0xFFFFF800  }
0x64: {  	[tilespmem:s24], [sflag:$0x2] =	stream.linear.gather [hbm4b:s23+s2], $0x20, $0x38;
	[tilespmem:$0x5EE0] =	vst v63  }
0x65: {  	_ =	swait.ge [sflag:s3], $0x20  }
0x66: {  	[sflag:s3] =	ssyncset.done $0x0  }
0x67: {  	[sflag:s3] =	ssyncadd.s32 $0xFFFFFFE0  }
0x68: {  	[tilespmem:s28], [sflag:$0x1] =	stream.indirect.gather [hbm4b:s25+s26], $0x20, s24, s26, $0xb8;
	[tilespmem:$0x5EE0] =	vst v63  }
0x69: {  	_ =	swait.ge [sflag:s8], $0x400  }
.Ltmp1:
0x6a: {  	[sflag:s8] =	ssyncset.done $0x0;
	(pc) =	sbr.rel @p0 .LBB2_1-.Ltmp1, $4  }
0x6b: {  	[sflag:s8] =	ssyncadd.s32 $0xFFFFFC00  }
0x6c: {  	[hbm4b:s29+s2] =	stream.linear.scatter [tilespmem:s28], [sflag:$0x2], $0x400, $0x38;
	[tilespmem:$0x5EE0] =	vst v63  }
0x6d: {  	_ =	swait.ge [sflag:s3], $0x400  }
0x6e: {  	[sflag:s3] =	ssyncset.done $0x0  }
.LBB2_2:
0x6f: {  	[sflag:s3] =	ssyncadd.s32 $0xFFFFFC00  }
0x70: {  	_ =	sfence.sel $0x180000  }
0x71: {  	[bflag:$0x0] =	sbarrier.arrive $0xFFFF  }
0x72: {  	_ =	strace $0x90000047  }
0x73: {  	[bflag:$0x2] =	sbarrier.arrive $0xFFFF  }
0x74: {  	p0 =	sne.s32 s0, $0x0;
	s0 =	rddreg [dreg:$0x2]  }
0x75: {  	s0 =	sadd.s32 @!p0 $0x100000, s0  }
0x76: {  	[sflag:s0] =	ssyncadd.tile.s32 @!p0 $0x1;
	_ =	shalt  }
.Lfunc_end2:
_tile_overlayer_lowered:
.L_overlay_start_2:
0x77: {  	(tag) =	ssettag $0x2  }
0x78: {  	s0 =	rddreg [dreg:$0x0];
	s2 =	stileid.u32  }
0x79: {  	s1 =	rddreg [dreg:$0x1];
	p0 =	sne.s32 s2, $0x0  }
0x7a: {  	s3 =	rddreg [dreg:$0x2];
	[bflag:$0x3] =	sbarrier.arrive $0xFFFF;
	s2 =	simm.s32 @!p0 $0x1C02  }
0x7b: {  	[timem:s3], [sflag:s2] =	dma.local @!p0 [hbm:s0], s1  }
0x7c: {  	s0 =	simm.s32 @!p0 $0x2  }
0x7d: {  	_ =	swait.ge @!p0 [sflag:s0], s1  }
0x7e: {  	s1 =	ssub.s32 @!p0 $0x0, s1;
	[sflag:s0] =	ssyncset.done @!p0 $0x0  }
0x7f: {  	[sflag:s0] =	ssyncadd.s32 @!p0 s1  }
0x80: {  	[bflag:$0x3] =	sbarrier.arrive $0xFFFF  }
0x81: {  	_ =	shalt  }

</sc_bundles>
